<compile_context>
chip_gen: v7x
topology: tpu7x:2x2x1
jax: 0.10.2.dev20260603
libtpu: 0.0.44.dev20260713+nightly
codegen_flags: <defaults>
</compile_context>

<pallas_src>
import functools

import jax
import jax.numpy as jnp
from jax import lax
from jax.experimental import pallas as pl
from jax.experimental.pallas import tpu as pltpu
from jax.experimental.pallas import tpu_sc as plsc

VOCAB = 1000000
EMB = 64
NUM_CLASSES = 1000
B = 4096
L = 200

CHUNK = 128
NBUF = 8

NC = 2
NS = 16
NW = NC * NS
B_PER_W = B // NW
IDX_PER_W = B_PER_W * L
CHUNKS = IDX_PER_W // CHUNK


def _sc_pool(x3, seg, table):
    mesh = plsc.VectorSubcoreMesh(core_axis_name="c", subcore_axis_name="s")

    @functools.partial(
        pl.kernel,
        out_type=jax.ShapeDtypeStruct((B, EMB), jnp.float32),
        mesh=mesh,
        compiler_params=pltpu.CompilerParams(use_tc_tiling_on_sc=False),
        scratch_types=[
            pltpu.VMEM((CHUNKS, CHUNK), jnp.int32),
            pltpu.VMEM((CHUNKS, CHUNK), jnp.int32),
        ] + [pltpu.VMEM((CHUNK, EMB), jnp.float32)] * NBUF + [
            pltpu.VMEM_SHARED((NS * B_PER_W, EMB), jnp.float32),
        ] + [pltpu.SemaphoreType.DMA] * NBUF,
    )
    def pool(x_hbm, seg_hbm, table_hbm, out_hbm, idx_v, dst_v, *rest):
        bufs = rest[:NBUF]
        acc_sh = rest[NBUF]
        sems = rest[NBUF + 1:]
        buf0 = bufs[0]
        s = lax.axis_index("s")
        wid = s * NC + lax.axis_index("c")
        base = wid * B_PER_W

        pltpu.sync_copy(x_hbm.at[wid], idx_v)
        pltpu.sync_copy(seg_hbm, dst_v)

        sbase = jnp.full((16,), s * B_PER_W, jnp.int32)

        @pl.loop(0, CHUNKS)
        def _(k):
            for j in range(CHUNK // 16):
                sl = pl.ds(j * 16, 16)
                dst_v[k, sl] = dst_v[k, sl] + sbase

        zeros_f = jnp.zeros((16,), jnp.float32)

        @pl.loop(0, CHUNK)
        def _(r):
            for j in range(EMB // 16):
                buf0[r, pl.ds(j * 16, 16)] = zeros_f

        pltpu.sync_copy(buf0, acc_sh.at[pl.ds(s * B_PER_W, B_PER_W)])

        @pl.loop(0, CHUNKS, step=NBUF)
        def _(k):
            cps = [
                pltpu.async_copy(table_hbm.at[idx_v.at[k + j]],
                                 bufs[j], sems[j])
                for j in range(NBUF)
            ]
            for j in range(NBUF):
                cps[j].wait()
                pltpu.sync_copy(bufs[j], acc_sh.at[dst_v.at[k + j]],
                                add=True)

        pltpu.sync_copy(acc_sh.at[pl.ds(s * B_PER_W, B_PER_W)],
                        out_hbm.at[pl.ds(base, B_PER_W)])

    return pool(x3, seg, table)


def _tc_head(sums, fc_wt, fc_b2):
    TB = 256

    def body(s_ref, w_ref, b_ref, o_ref):
        o_ref[...] = (
            jnp.dot(s_ref[...], w_ref[...],
                    preferred_element_type=jnp.float32,
                    precision=lax.Precision.HIGHEST) * (1.0 / L)
            + b_ref[...]
        )

    return pl.pallas_call(
        body,
        grid=(B // TB,),
        in_specs=[
            pl.BlockSpec((TB, EMB), lambda i: (i, 0)),
            pl.BlockSpec((EMB, NUM_CLASSES), lambda i: (0, 0)),
            pl.BlockSpec((1, NUM_CLASSES), lambda i: (0, 0)),
        ],
        out_specs=pl.BlockSpec((TB, NUM_CLASSES), lambda i: (i, 0)),
        out_shape=jax.ShapeDtypeStruct((B, NUM_CLASSES), jnp.float32),
    )(sums, fc_wt, fc_b2)


def kernel(x, table, fc_w, fc_b):
    x3 = x.astype(jnp.int32).reshape(NW, CHUNKS, CHUNK)
    seg = (jnp.arange(CHUNKS * CHUNK, dtype=jnp.int32) // L).reshape(CHUNKS, CHUNK)
    sums = _sc_pool(x3, seg, table)
    return _tc_head(sums, fc_w.T, fc_b.reshape(1, NUM_CLASSES))

# --- scband reference (transcript-rebuilt; emitter-appended) ---
"""Pipeline reference for scband-text-classifier-22290880266878 (READ-ONLY COPY).

The authoritative reference and input builder live on the scoring server;
editing this copy changes nothing except your own understanding.
"""

import jax, jax.numpy as jnp
import numpy as np

VOCAB = 1000000
EMB = 64
NUM_CLASSES = 1000
B = 4096
L = 200

def setup_inputs(seed: int = 0) -> dict:
    key = jax.random.key(seed)
    k1, k2, k3, k4 = jax.random.split(key, 4)
    x = jax.random.randint(k1, (B, L), 0, VOCAB, dtype=jnp.int64 if jax.config.jax_enable_x64 else jnp.int32)
    table = jax.random.normal(k2, (VOCAB, EMB), dtype=jnp.float32) * 0.02
    fc_w = jax.random.normal(k3, (NUM_CLASSES, EMB), dtype=jnp.float32) * (1.0 / np.sqrt(EMB))
    fc_b = jax.random.normal(k4, (NUM_CLASSES,), dtype=jnp.float32) * 0.01
    return {"x": x, "table": table, "fc_w": fc_w, "fc_b": fc_b}

def reference(x, table, fc_w, fc_b):
    # embedding lookup: gather rows of the table
    embedded = jnp.take(table, x, axis=0)           # [B, L, EMB]
    pooled = jnp.mean(embedded, axis=1)             # [B, EMB]
    logits = pooled @ fc_w.T + fc_b                 # [B, NUM_CLASSES]
    return logits

if __name__ == "__main__":
    import jax
    _d = setup_inputs()
    print(jax.jit(kernel)(*tuple(_d.values())))

</pallas_src>

<mosaic_0001>
#map = affine_map<(d0, d1) -> (0, 0, 0)>
#map1 = affine_map<(d0, d1) -> (0, 0)>
module attributes {stable_mosaic.version = 14 : i64} {
  func.func @pool(%arg0: i32, %arg1: i32, %arg2: memref<32x200x128xi32, #tpu.memory_space<hbm>>, %arg3: memref<200x128xi32, #tpu.memory_space<hbm>>, %arg4: memref<1000000x64xf32, #tpu.memory_space<hbm>>, %arg5: memref<4096x64xf32, #tpu.memory_space<hbm>>, %arg6: memref<200x128xi32, #tpu.memory_space<vmem>>, %arg7: memref<200x128xi32, #tpu.memory_space<vmem>>, %arg8: memref<128x64xf32, #tpu.memory_space<vmem>>, %arg9: memref<128x64xf32, #tpu.memory_space<vmem>>, %arg10: memref<128x64xf32, #tpu.memory_space<vmem>>, %arg11: memref<128x64xf32, #tpu.memory_space<vmem>>, %arg12: memref<128x64xf32, #tpu.memory_space<vmem>>, %arg13: memref<128x64xf32, #tpu.memory_space<vmem>>, %arg14: memref<128x64xf32, #tpu.memory_space<vmem>>, %arg15: memref<128x64xf32, #tpu.memory_space<vmem>>, %arg16: memref<2048x64xf32, #tpu.memory_space<vmem_shared>>, %arg17: memref<!tpu.dma_semaphore, #tpu.memory_space<semaphore_mem>>, %arg18: memref<!tpu.dma_semaphore, #tpu.memory_space<semaphore_mem>>, %arg19: memref<!tpu.dma_semaphore, #tpu.memory_space<semaphore_mem>>, %arg20: memref<!tpu.dma_semaphore, #tpu.memory_space<semaphore_mem>>, %arg21: memref<!tpu.dma_semaphore, #tpu.memory_space<semaphore_mem>>, %arg22: memref<!tpu.dma_semaphore, #tpu.memory_space<semaphore_mem>>, %arg23: memref<!tpu.dma_semaphore, #tpu.memory_space<semaphore_mem>>, %arg24: memref<!tpu.dma_semaphore, #tpu.memory_space<semaphore_mem>>) attributes {dimension_semantics = [#tpu.dimension_semantics<core_parallel>, #tpu.dimension_semantics<subcore_parallel>], iteration_bounds = array<i64: 2, 16>, scalar_prefetch = 0 : i64, scratch_operands = 19 : i64, tpu.core_type = #tpu.core_type<sc_vector_subcore>, window_params = [{transform_indices = #map}, {transform_indices = #map1}, {transform_indices = #map1}, {transform_indices = #map1}]} {
    %mul3A = arith.constant 2 : i32
    %mul3A_0 = arith.muli %arg1, %mul3A : i32
    %add3A = arith.addi %mul3A_0, %arg0 : i32
    %mul3A_1 = arith.constant 128 : i32
    %mul3A_2 = arith.muli %add3A, %mul3A_1 : i32
    "tpu.region"() ({
      %run_scoped3A = tpu.sem_alloc : memref<!tpu.dma_semaphore, #tpu.memory_space<semaphore_mem>>
      %dma_start3A = arith.constant 0 : i32
      %dma_start3A_25 = arith.constant 0 : i32
      %dma_start3A_26 = tpu.memref_slice %arg2[%add3A, %dma_start3A, %dma_start3A_25] : memref<32x200x128xi32, #tpu.memory_space<hbm>> -> memref<1x200x128xi32, #tpu.memory_space<hbm>>
      %dma_start3A_27 = tpu.memref_squeeze %dma_start3A_26 : memref<1x200x128xi32, #tpu.memory_space<hbm>> -> memref<200x128xi32, #tpu.memory_space<hbm>>
      %dma_start3A_28 = arith.constant 0 : i32
      %dma_start3A_29 = arith.constant 0 : i32
      %dma_start3A_30 = tpu.memref_slice %arg2[%add3A, %dma_start3A_28, %dma_start3A_29] : memref<32x200x128xi32, #tpu.memory_space<hbm>> -> memref<1x200x128xi32, #tpu.memory_space<hbm>>
      %dma_start3A_31 = tpu.memref_squeeze %dma_start3A_30 : memref<1x200x128xi32, #tpu.memory_space<hbm>> -> memref<200x128xi32, #tpu.memory_space<hbm>>
      tpu.enqueue_dma source(%dma_start3A_31 : memref<200x128xi32, #tpu.memory_space<hbm>>) target(%arg6 : memref<200x128xi32, #tpu.memory_space<vmem>>) target_semaphore(%run_scoped3A : memref<!tpu.dma_semaphore, #tpu.memory_space<semaphore_mem>>)
      %dma_wait3A = arith.constant 0 : i32
      %dma_wait3A_32 = arith.constant 0 : i32
      %dma_wait3A_33 = tpu.memref_slice %arg2[%add3A, %dma_wait3A, %dma_wait3A_32] : memref<32x200x128xi32, #tpu.memory_space<hbm>> -> memref<1x200x128xi32, #tpu.memory_space<hbm>>
      %dma_wait3A_34 = tpu.memref_squeeze %dma_wait3A_33 : memref<1x200x128xi32, #tpu.memory_space<hbm>> -> memref<200x128xi32, #tpu.memory_space<hbm>>
      %dma_wait3A_35 = arith.constant 0 : i32
      %dma_wait3A_36 = arith.constant 0 : i32
      %dma_wait3A_37 = tpu.memref_slice %arg2[%add3A, %dma_wait3A_35, %dma_wait3A_36] : memref<32x200x128xi32, #tpu.memory_space<hbm>> -> memref<1x200x128xi32, #tpu.memory_space<hbm>>
      %dma_wait3A_38 = tpu.memref_squeeze %dma_wait3A_37 : memref<1x200x128xi32, #tpu.memory_space<hbm>> -> memref<200x128xi32, #tpu.memory_space<hbm>>
      tpu.wait_dma2 semaphore(%run_scoped3A : memref<!tpu.dma_semaphore, #tpu.memory_space<semaphore_mem>>) src(%dma_wait3A_38 : memref<200x128xi32, #tpu.memory_space<hbm>>) dst(%arg6 : memref<200x128xi32, #tpu.memory_space<vmem>>)
      tpu.yield
    }) : () -> ()
    "tpu.region"() ({
      %run_scoped3A = tpu.sem_alloc : memref<!tpu.dma_semaphore, #tpu.memory_space<semaphore_mem>>
      tpu.enqueue_dma source(%arg3 : memref<200x128xi32, #tpu.memory_space<hbm>>) target(%arg7 : memref<200x128xi32, #tpu.memory_space<vmem>>) target_semaphore(%run_scoped3A : memref<!tpu.dma_semaphore, #tpu.memory_space<semaphore_mem>>)
      tpu.wait_dma2 semaphore(%run_scoped3A : memref<!tpu.dma_semaphore, #tpu.memory_space<semaphore_mem>>) src(%arg3 : memref<200x128xi32, #tpu.memory_space<hbm>>) dst(%arg7 : memref<200x128xi32, #tpu.memory_space<vmem>>)
      tpu.yield
    }) : () -> ()
    %mul3A_3 = arith.constant 128 : i32
    %mul3A_4 = arith.muli %arg1, %mul3A_3 : i32
    %broadcast_in_dim3A = vector.broadcast %mul3A_4 : i32 to vector<16xi32>
    %scan3A = arith.constant 0 : i32
    %scan3A_5 = arith.constant 200 : i32
    %scan3A_6 = arith.addi %scan3A, %scan3A_5 : i32
    %scan3A_7 = arith.constant 1 : i32
    scf.for %scan3A_25 = %scan3A to %scan3A_6 step %scan3A_7  : i32 {
      %mul3A_26 = arith.constant 1 : i32
      %mul3A_27 = arith.muli %scan3A_25, %mul3A_26 : i32
      %add3A_28 = arith.constant 0 : i32
      %add3A_29 = arith.addi %add3A_28, %mul3A_27 : i32
      %get3A = arith.index_cast %add3A_29 : i32 to index
      %get3A_30 = arith.constant 0 : index
      %get3A_31 = tpu.vector_load %arg7[%get3A, %get3A_30] {strides = array<i32>} : memref<200x128xi32, #tpu.memory_space<vmem>>, vector<1x16xi32>,
      %get3A_32 = vector.shape_cast %get3A_31 : vector<1x16xi32> to vector<16xi32>
      %add3A_33 = arith.addi %get3A_32, %broadcast_in_dim3A : vector<16xi32>
      %swap3A = arith.index_cast %add3A_29 : i32 to index
      %swap3A_34 = arith.constant 0 : index
      %swap3A_35 = tpu.vector_load %arg7[%swap3A, %swap3A_34] {strides = array<i32>} : memref<200x128xi32, #tpu.memory_space<vmem>>, vector<1x16xi32>,
      %swap3A_36 = vector.shape_cast %swap3A_35 : vector<1x16xi32> to vector<16xi32>
      %swap3A_37 = vector.shape_cast %add3A_33 : vector<16xi32> to vector<1x16xi32>
      tpu.vector_store %arg7[%swap3A, %swap3A_34], %swap3A_37 {strides = array<i32>} : memref<200x128xi32, #tpu.memory_space<vmem>>, vector<1x16xi32>,
      %get3A_38 = arith.index_cast %add3A_29 : i32 to index
      %get3A_39 = arith.constant 16 : index
      %get3A_40 = tpu.vector_load %arg7[%get3A_38, %get3A_39] {strides = array<i32>} : memref<200x128xi32, #tpu.memory_space<vmem>>, vector<1x16xi32>,
      %get3A_41 = vector.shape_cast %get3A_40 : vector<1x16xi32> to vector<16xi32>
      %add3A_42 = arith.addi %get3A_41, %broadcast_in_dim3A : vector<16xi32>
      %swap3A_43 = arith.index_cast %add3A_29 : i32 to index
      %swap3A_44 = arith.constant 16 : index
      %swap3A_45 = tpu.vector_load %arg7[%swap3A_43, %swap3A_44] {strides = array<i32>} : memref<200x128xi32, #tpu.memory_space<vmem>>, vector<1x16xi32>,
      %swap3A_46 = vector.shape_cast %swap3A_45 : vector<1x16xi32> to vector<16xi32>
      %swap3A_47 = vector.shape_cast %add3A_42 : vector<16xi32> to vector<1x16xi32>
      tpu.vector_store %arg7[%swap3A_43, %swap3A_44], %swap3A_47 {strides = array<i32>} : memref<200x128xi32, #tpu.memory_space<vmem>>, vector<1x16xi32>,
      %get3A_48 = arith.index_cast %add3A_29 : i32 to index
      %get3A_49 = arith.constant 32 : index
      %get3A_50 = tpu.vector_load %arg7[%get3A_48, %get3A_49] {strides = array<i32>} : memref<200x128xi32, #tpu.memory_space<vmem>>, vector<1x16xi32>,
      %get3A_51 = vector.shape_cast %get3A_50 : vector<1x16xi32> to vector<16xi32>
      %add3A_52 = arith.addi %get3A_51, %broadcast_in_dim3A : vector<16xi32>
      %swap3A_53 = arith.index_cast %add3A_29 : i32 to index
      %swap3A_54 = arith.constant 32 : index
      %swap3A_55 = tpu.vector_load %arg7[%swap3A_53, %swap3A_54] {strides = array<i32>} : memref<200x128xi32, #tpu.memory_space<vmem>>, vector<1x16xi32>,
      %swap3A_56 = vector.shape_cast %swap3A_55 : vector<1x16xi32> to vector<16xi32>
      %swap3A_57 = vector.shape_cast %add3A_52 : vector<16xi32> to vector<1x16xi32>
      tpu.vector_store %arg7[%swap3A_53, %swap3A_54], %swap3A_57 {strides = array<i32>} : memref<200x128xi32, #tpu.memory_space<vmem>>, vector<1x16xi32>,
      %get3A_58 = arith.index_cast %add3A_29 : i32 to index
      %get3A_59 = arith.constant 48 : index
      %get3A_60 = tpu.vector_load %arg7[%get3A_58, %get3A_59] {strides = array<i32>} : memref<200x128xi32, #tpu.memory_space<vmem>>, vector<1x16xi32>,
      %get3A_61 = vector.shape_cast %get3A_60 : vector<1x16xi32> to vector<16xi32>
      %add3A_62 = arith.addi %get3A_61, %broadcast_in_dim3A : vector<16xi32>
      %swap3A_63 = arith.index_cast %add3A_29 : i32 to index
      %swap3A_64 = arith.constant 48 : index
      %swap3A_65 = tpu.vector_load %arg7[%swap3A_63, %swap3A_64] {strides = array<i32>} : memref<200x128xi32, #tpu.memory_space<vmem>>, vector<1x16xi32>,
      %swap3A_66 = vector.shape_cast %swap3A_65 : vector<1x16xi32> to vector<16xi32>
      %swap3A_67 = vector.shape_cast %add3A_62 : vector<16xi32> to vector<1x16xi32>
      tpu.vector_store %arg7[%swap3A_63, %swap3A_64], %swap3A_67 {strides = array<i32>} : memref<200x128xi32, #tpu.memory_space<vmem>>, vector<1x16xi32>,
      %get3A_68 = arith.index_cast %add3A_29 : i32 to index
      %get3A_69 = arith.constant 64 : index
      %get3A_70 = tpu.vector_load %arg7[%get3A_68, %get3A_69] {strides = array<i32>} : memref<200x128xi32, #tpu.memory_space<vmem>>, vector<1x16xi32>,
      %get3A_71 = vector.shape_cast %get3A_70 : vector<1x16xi32> to vector<16xi32>
      %add3A_72 = arith.addi %get3A_71, %broadcast_in_dim3A : vector<16xi32>
      %swap3A_73 = arith.index_cast %add3A_29 : i32 to index
      %swap3A_74 = arith.constant 64 : index
      %swap3A_75 = tpu.vector_load %arg7[%swap3A_73, %swap3A_74] {strides = array<i32>} : memref<200x128xi32, #tpu.memory_space<vmem>>, vector<1x16xi32>,
      %swap3A_76 = vector.shape_cast %swap3A_75 : vector<1x16xi32> to vector<16xi32>
      %swap3A_77 = vector.shape_cast %add3A_72 : vector<16xi32> to vector<1x16xi32>
      tpu.vector_store %arg7[%swap3A_73, %swap3A_74], %swap3A_77 {strides = array<i32>} : memref<200x128xi32, #tpu.memory_space<vmem>>, vector<1x16xi32>,
      %get3A_78 = arith.index_cast %add3A_29 : i32 to index
      %get3A_79 = arith.constant 80 : index
      %get3A_80 = tpu.vector_load %arg7[%get3A_78, %get3A_79] {strides = array<i32>} : memref<200x128xi32, #tpu.memory_space<vmem>>, vector<1x16xi32>,
      %get3A_81 = vector.shape_cast %get3A_80 : vector<1x16xi32> to vector<16xi32>
      %add3A_82 = arith.addi %get3A_81, %broadcast_in_dim3A : vector<16xi32>
      %swap3A_83 = arith.index_cast %add3A_29 : i32 to index
      %swap3A_84 = arith.constant 80 : index
      %swap3A_85 = tpu.vector_load %arg7[%swap3A_83, %swap3A_84] {strides = array<i32>} : memref<200x128xi32, #tpu.memory_space<vmem>>, vector<1x16xi32>,
      %swap3A_86 = vector.shape_cast %swap3A_85 : vector<1x16xi32> to vector<16xi32>
      %swap3A_87 = vector.shape_cast %add3A_82 : vector<16xi32> to vector<1x16xi32>
      tpu.vector_store %arg7[%swap3A_83, %swap3A_84], %swap3A_87 {strides = array<i32>} : memref<200x128xi32, #tpu.memory_space<vmem>>, vector<1x16xi32>,
      %get3A_88 = arith.index_cast %add3A_29 : i32 to index
      %get3A_89 = arith.constant 96 : index
      %get3A_90 = tpu.vector_load %arg7[%get3A_88, %get3A_89] {strides = array<i32>} : memref<200x128xi32, #tpu.memory_space<vmem>>, vector<1x16xi32>,
      %get3A_91 = vector.shape_cast %get3A_90 : vector<1x16xi32> to vector<16xi32>
      %add3A_92 = arith.addi %get3A_91, %broadcast_in_dim3A : vector<16xi32>
      %swap3A_93 = arith.index_cast %add3A_29 : i32 to index
      %swap3A_94 = arith.constant 96 : index
      %swap3A_95 = tpu.vector_load %arg7[%swap3A_93, %swap3A_94] {strides = array<i32>} : memref<200x128xi32, #tpu.memory_space<vmem>>, vector<1x16xi32>,
      %swap3A_96 = vector.shape_cast %swap3A_95 : vector<1x16xi32> to vector<16xi32>
      %swap3A_97 = vector.shape_cast %add3A_92 : vector<16xi32> to vector<1x16xi32>
      tpu.vector_store %arg7[%swap3A_93, %swap3A_94], %swap3A_97 {strides = array<i32>} : memref<200x128xi32, #tpu.memory_space<vmem>>, vector<1x16xi32>,
      %get3A_98 = arith.index_cast %add3A_29 : i32 to index
      %get3A_99 = arith.constant 112 : index
      %get3A_100 = tpu.vector_load %arg7[%get3A_98, %get3A_99] {strides = array<i32>} : memref<200x128xi32, #tpu.memory_space<vmem>>, vector<1x16xi32>,
      %get3A_101 = vector.shape_cast %get3A_100 : vector<1x16xi32> to vector<16xi32>
      %add3A_102 = arith.addi %get3A_101, %broadcast_in_dim3A : vector<16xi32>
      %swap3A_103 = arith.index_cast %add3A_29 : i32 to index
      %swap3A_104 = arith.constant 112 : index
      %swap3A_105 = tpu.vector_load %arg7[%swap3A_103, %swap3A_104] {strides = array<i32>} : memref<200x128xi32, #tpu.memory_space<vmem>>, vector<1x16xi32>,
      %swap3A_106 = vector.shape_cast %swap3A_105 : vector<1x16xi32> to vector<16xi32>
      %swap3A_107 = vector.shape_cast %add3A_102 : vector<16xi32> to vector<1x16xi32>
      tpu.vector_store %arg7[%swap3A_103, %swap3A_104], %swap3A_107 {strides = array<i32>} : memref<200x128xi32, #tpu.memory_space<vmem>>, vector<1x16xi32>,
    }
    %scan3A_8 = arith.constant 200 : i32
    %broadcast_in_dim3A_9 = arith.constant 0.000000e+00 : f32
    %broadcast_in_dim3A_10 = vector.broadcast %broadcast_in_dim3A_9 : f32 to vector<16xf32>
    %scan3A_11 = arith.constant 0 : i32
    %scan3A_12 = arith.constant 128 : i32
    %scan3A_13 = arith.addi %scan3A_11, %scan3A_12 : i32
    %scan3A_14 = arith.constant 1 : i32
    scf.for %scan3A_25 = %scan3A_11 to %scan3A_13 step %scan3A_14  : i32 {
      %mul3A_26 = arith.constant 1 : i32
      %mul3A_27 = arith.muli %scan3A_25, %mul3A_26 : i32
      %add3A_28 = arith.constant 0 : i32
      %add3A_29 = arith.addi %add3A_28, %mul3A_27 : i32
      %swap3A = arith.index_cast %add3A_29 : i32 to index
      %swap3A_30 = arith.constant 0 : index
      %swap3A_31 = tpu.vector_load %arg8[%swap3A, %swap3A_30] {strides = array<i32>} : memref<128x64xf32, #tpu.memory_space<vmem>>, vector<1x16xf32>,
      %swap3A_32 = vector.shape_cast %swap3A_31 : vector<1x16xf32> to vector<16xf32>
      %swap3A_33 = vector.shape_cast %broadcast_in_dim3A_10 : vector<16xf32> to vector<1x16xf32>
      tpu.vector_store %arg8[%swap3A, %swap3A_30], %swap3A_33 {strides = array<i32>} : memref<128x64xf32, #tpu.memory_space<vmem>>, vector<1x16xf32>,
      %swap3A_34 = arith.index_cast %add3A_29 : i32 to index
      %swap3A_35 = arith.constant 16 : index
      %swap3A_36 = tpu.vector_load %arg8[%swap3A_34, %swap3A_35] {strides = array<i32>} : memref<128x64xf32, #tpu.memory_space<vmem>>, vector<1x16xf32>,
      %swap3A_37 = vector.shape_cast %swap3A_36 : vector<1x16xf32> to vector<16xf32>
      %swap3A_38 = vector.shape_cast %broadcast_in_dim3A_10 : vector<16xf32> to vector<1x16xf32>
      tpu.vector_store %arg8[%swap3A_34, %swap3A_35], %swap3A_38 {strides = array<i32>} : memref<128x64xf32, #tpu.memory_space<vmem>>, vector<1x16xf32>,
      %swap3A_39 = arith.index_cast %add3A_29 : i32 to index
      %swap3A_40 = arith.constant 32 : index
      %swap3A_41 = tpu.vector_load %arg8[%swap3A_39, %swap3A_40] {strides = array<i32>} : memref<128x64xf32, #tpu.memory_space<vmem>>, vector<1x16xf32>,
      %swap3A_42 = vector.shape_cast %swap3A_41 : vector<1x16xf32> to vector<16xf32>
      %swap3A_43 = vector.shape_cast %broadcast_in_dim3A_10 : vector<16xf32> to vector<1x16xf32>
      tpu.vector_store %arg8[%swap3A_39, %swap3A_40], %swap3A_43 {strides = array<i32>} : memref<128x64xf32, #tpu.memory_space<vmem>>, vector<1x16xf32>,
      %swap3A_44 = arith.index_cast %add3A_29 : i32 to index
      %swap3A_45 = arith.constant 48 : index
      %swap3A_46 = tpu.vector_load %arg8[%swap3A_44, %swap3A_45] {strides = array<i32>} : memref<128x64xf32, #tpu.memory_space<vmem>>, vector<1x16xf32>,
      %swap3A_47 = vector.shape_cast %swap3A_46 : vector<1x16xf32> to vector<16xf32>
      %swap3A_48 = vector.shape_cast %broadcast_in_dim3A_10 : vector<16xf32> to vector<1x16xf32>
      tpu.vector_store %arg8[%swap3A_44, %swap3A_45], %swap3A_48 {strides = array<i32>} : memref<128x64xf32, #tpu.memory_space<vmem>>, vector<1x16xf32>,
    }
    %scan3A_15 = arith.constant 128 : i32
    %mul3A_16 = arith.constant 128 : i32
    %mul3A_17 = arith.muli %arg1, %mul3A_16 : i32
    "tpu.region"() ({
      %run_scoped3A = tpu.sem_alloc : memref<!tpu.dma_semaphore, #tpu.memory_space<semaphore_mem>>
      %dma_start3A = arith.constant 0 : i32
      %dma_start3A_25 = tpu.memref_slice %arg16[%mul3A_17, %dma_start3A] : memref<2048x64xf32, #tpu.memory_space<vmem_shared>> -> memref<128x64xf32, #tpu.memory_space<vmem_shared>>
      %dma_start3A_26 = arith.constant 0 : i32
      %dma_start3A_27 = tpu.memref_slice %arg16[%mul3A_17, %dma_start3A_26] : memref<2048x64xf32, #tpu.memory_space<vmem_shared>> -> memref<128x64xf32, #tpu.memory_space<vmem_shared>>
      tpu.enqueue_dma source(%arg8 : memref<128x64xf32, #tpu.memory_space<vmem>>) target(%dma_start3A_27 : memref<128x64xf32, #tpu.memory_space<vmem_shared>>) target_semaphore(%run_scoped3A : memref<!tpu.dma_semaphore, #tpu.memory_space<semaphore_mem>>)
      %dma_wait3A = arith.constant 0 : i32
      %dma_wait3A_28 = tpu.memref_slice %arg16[%mul3A_17, %dma_wait3A] : memref<2048x64xf32, #tpu.memory_space<vmem_shared>> -> memref<128x64xf32, #tpu.memory_space<vmem_shared>>
      %dma_wait3A_29 = arith.constant 0 : i32
      %dma_wait3A_30 = tpu.memref_slice %arg16[%mul3A_17, %dma_wait3A_29] : memref<2048x64xf32, #tpu.memory_space<vmem_shared>> -> memref<128x64xf32, #tpu.memory_space<vmem_shared>>
      tpu.wait_dma2 semaphore(%run_scoped3A : memref<!tpu.dma_semaphore, #tpu.memory_space<semaphore_mem>>) src(%arg8 : memref<128x64xf32, #tpu.memory_space<vmem>>) dst(%dma_wait3A_30 : memref<128x64xf32, #tpu.memory_space<vmem_shared>>)
      tpu.yield
    }) : () -> ()
    %scan3A_18 = arith.constant 0 : i32
    %scan3A_19 = arith.constant 25 : i32
    %scan3A_20 = arith.addi %scan3A_18, %scan3A_19 : i32
    %scan3A_21 = arith.constant 1 : i32
    scf.for %scan3A_25 = %scan3A_18 to %scan3A_20 step %scan3A_21  : i32 {
      %mul3A_26 = arith.constant 8 : i32
      %mul3A_27 = arith.muli %scan3A_25, %mul3A_26 : i32
      %add3A_28 = arith.constant 0 : i32
      %add3A_29 = arith.addi %add3A_28, %mul3A_27 : i32
      %add3A_30 = arith.constant 0 : i32
      %add3A_31 = arith.addi %add3A_29, %add3A_30 : i32
      %dma_start3A = arith.constant 0 : i32
      %dma_start3A_32 = tpu.memref_slice %arg6[%add3A_31, %dma_start3A] : memref<200x128xi32, #tpu.memory_space<vmem>> -> memref<1x128xi32, #tpu.memory_space<vmem>>
      %dma_start3A_33 = tpu.memref_squeeze %dma_start3A_32 : memref<1x128xi32, #tpu.memory_space<vmem>> -> memref<128xi32, #tpu.memory_space<vmem>>
      %dma_start3A_34 = arith.constant 0 : i32
      %dma_start3A_35 = arith.constant 0 : i32
      %dma_start3A_36 = tpu.memref_slice %arg4[%dma_start3A_34, %dma_start3A_35] : memref<1000000x64xf32, #tpu.memory_space<hbm>> -> memref<1000000x64xf32, #tpu.memory_space<hbm>>
      tpu.enqueue_indirect_dma source(%dma_start3A_36 : memref<1000000x64xf32, #tpu.memory_space<hbm>>) target(%arg8 : memref<128x64xf32, #tpu.memory_space<vmem>>) offsets(%dma_start3A_33 : memref<128xi32, #tpu.memory_space<vmem>>) semaphore(%arg17 : memref<!tpu.dma_semaphore, #tpu.memory_space<semaphore_mem>>)
      %add3A_37 = arith.constant 1 : i32
      %add3A_38 = arith.addi %add3A_29, %add3A_37 : i32
      %dma_start3A_39 = arith.constant 0 : i32
      %dma_start3A_40 = tpu.memref_slice %arg6[%add3A_38, %dma_start3A_39] : memref<200x128xi32, #tpu.memory_space<vmem>> -> memref<1x128xi32, #tpu.memory_space<vmem>>
      %dma_start3A_41 = tpu.memref_squeeze %dma_start3A_40 : memref<1x128xi32, #tpu.memory_space<vmem>> -> memref<128xi32, #tpu.memory_space<vmem>>
      %dma_start3A_42 = arith.constant 0 : i32
      %dma_start3A_43 = arith.constant 0 : i32
      %dma_start3A_44 = tpu.memref_slice %arg4[%dma_start3A_42, %dma_start3A_43] : memref<1000000x64xf32, #tpu.memory_space<hbm>> -> memref<1000000x64xf32, #tpu.memory_space<hbm>>
      tpu.enqueue_indirect_dma source(%dma_start3A_44 : memref<1000000x64xf32, #tpu.memory_space<hbm>>) target(%arg9 : memref<128x64xf32, #tpu.memory_space<vmem>>) offsets(%dma_start3A_41 : memref<128xi32, #tpu.memory_space<vmem>>) semaphore(%arg18 : memref<!tpu.dma_semaphore, #tpu.memory_space<semaphore_mem>>)
      %add3A_45 = arith.constant 2 : i32
      %add3A_46 = arith.addi %add3A_29, %add3A_45 : i32
      %dma_start3A_47 = arith.constant 0 : i32
      %dma_start3A_48 = tpu.memref_slice %arg6[%add3A_46, %dma_start3A_47] : memref<200x128xi32, #tpu.memory_space<vmem>> -> memref<1x128xi32, #tpu.memory_space<vmem>>
      %dma_start3A_49 = tpu.memref_squeeze %dma_start3A_48 : memref<1x128xi32, #tpu.memory_space<vmem>> -> memref<128xi32, #tpu.memory_space<vmem>>
      %dma_start3A_50 = arith.constant 0 : i32
      %dma_start3A_51 = arith.constant 0 : i32
      %dma_start3A_52 = tpu.memref_slice %arg4[%dma_start3A_50, %dma_start3A_51] : memref<1000000x64xf32, #tpu.memory_space<hbm>> -> memref<1000000x64xf32, #tpu.memory_space<hbm>>
      tpu.enqueue_indirect_dma source(%dma_start3A_52 : memref<1000000x64xf32, #tpu.memory_space<hbm>>) target(%arg10 : memref<128x64xf32, #tpu.memory_space<vmem>>) offsets(%dma_start3A_49 : memref<128xi32, #tpu.memory_space<vmem>>) semaphore(%arg19 : memref<!tpu.dma_semaphore, #tpu.memory_space<semaphore_mem>>)
      %add3A_53 = arith.constant 3 : i32
      %add3A_54 = arith.addi %add3A_29, %add3A_53 : i32
      %dma_start3A_55 = arith.constant 0 : i32
      %dma_start3A_56 = tpu.memref_slice %arg6[%add3A_54, %dma_start3A_55] : memref<200x128xi32, #tpu.memory_space<vmem>> -> memref<1x128xi32, #tpu.memory_space<vmem>>
      %dma_start3A_57 = tpu.memref_squeeze %dma_start3A_56 : memref<1x128xi32, #tpu.memory_space<vmem>> -> memref<128xi32, #tpu.memory_space<vmem>>
      %dma_start3A_58 = arith.constant 0 : i32
      %dma_start3A_59 = arith.constant 0 : i32
      %dma_start3A_60 = tpu.memref_slice %arg4[%dma_start3A_58, %dma_start3A_59] : memref<1000000x64xf32, #tpu.memory_space<hbm>> -> memref<1000000x64xf32, #tpu.memory_space<hbm>>
      tpu.enqueue_indirect_dma source(%dma_start3A_60 : memref<1000000x64xf32, #tpu.memory_space<hbm>>) target(%arg11 : memref<128x64xf32, #tpu.memory_space<vmem>>) offsets(%dma_start3A_57 : memref<128xi32, #tpu.memory_space<vmem>>) semaphore(%arg20 : memref<!tpu.dma_semaphore, #tpu.memory_space<semaphore_mem>>)
      %add3A_61 = arith.constant 4 : i32
      %add3A_62 = arith.addi %add3A_29, %add3A_61 : i32
      %dma_start3A_63 = arith.constant 0 : i32
      %dma_start3A_64 = tpu.memref_slice %arg6[%add3A_62, %dma_start3A_63] : memref<200x128xi32, #tpu.memory_space<vmem>> -> memref<1x128xi32, #tpu.memory_space<vmem>>
      %dma_start3A_65 = tpu.memref_squeeze %dma_start3A_64 : memref<1x128xi32, #tpu.memory_space<vmem>> -> memref<128xi32, #tpu.memory_space<vmem>>
      %dma_start3A_66 = arith.constant 0 : i32
      %dma_start3A_67 = arith.constant 0 : i32
      %dma_start3A_68 = tpu.memref_slice %arg4[%dma_start3A_66, %dma_start3A_67] : memref<1000000x64xf32, #tpu.memory_space<hbm>> -> memref<1000000x64xf32, #tpu.memory_space<hbm>>
      tpu.enqueue_indirect_dma source(%dma_start3A_68 : memref<1000000x64xf32, #tpu.memory_space<hbm>>) target(%arg12 : memref<128x64xf32, #tpu.memory_space<vmem>>) offsets(%dma_start3A_65 : memref<128xi32, #tpu.memory_space<vmem>>) semaphore(%arg21 : memref<!tpu.dma_semaphore, #tpu.memory_space<semaphore_mem>>)
      %add3A_69 = arith.constant 5 : i32
      %add3A_70 = arith.addi %add3A_29, %add3A_69 : i32
      %dma_start3A_71 = arith.constant 0 : i32
      %dma_start3A_72 = tpu.memref_slice %arg6[%add3A_70, %dma_start3A_71] : memref<200x128xi32, #tpu.memory_space<vmem>> -> memref<1x128xi32, #tpu.memory_space<vmem>>
      %dma_start3A_73 = tpu.memref_squeeze %dma_start3A_72 : memref<1x128xi32, #tpu.memory_space<vmem>> -> memref<128xi32, #tpu.memory_space<vmem>>
      %dma_start3A_74 = arith.constant 0 : i32
      %dma_start3A_75 = arith.constant 0 : i32
      %dma_start3A_76 = tpu.memref_slice %arg4[%dma_start3A_74, %dma_start3A_75] : memref<1000000x64xf32, #tpu.memory_space<hbm>> -> memref<1000000x64xf32, #tpu.memory_space<hbm>>
      tpu.enqueue_indirect_dma source(%dma_start3A_76 : memref<1000000x64xf32, #tpu.memory_space<hbm>>) target(%arg13 : memref<128x64xf32, #tpu.memory_space<vmem>>) offsets(%dma_start3A_73 : memref<128xi32, #tpu.memory_space<vmem>>) semaphore(%arg22 : memref<!tpu.dma_semaphore, #tpu.memory_space<semaphore_mem>>)
      %add3A_77 = arith.constant 6 : i32
      %add3A_78 = arith.addi %add3A_29, %add3A_77 : i32
      %dma_start3A_79 = arith.constant 0 : i32
      %dma_start3A_80 = tpu.memref_slice %arg6[%add3A_78, %dma_start3A_79] : memref<200x128xi32, #tpu.memory_space<vmem>> -> memref<1x128xi32, #tpu.memory_space<vmem>>
      %dma_start3A_81 = tpu.memref_squeeze %dma_start3A_80 : memref<1x128xi32, #tpu.memory_space<vmem>> -> memref<128xi32, #tpu.memory_space<vmem>>
      %dma_start3A_82 = arith.constant 0 : i32
      %dma_start3A_83 = arith.constant 0 : i32
      %dma_start3A_84 = tpu.memref_slice %arg4[%dma_start3A_82, %dma_start3A_83] : memref<1000000x64xf32, #tpu.memory_space<hbm>> -> memref<1000000x64xf32, #tpu.memory_space<hbm>>
      tpu.enqueue_indirect_dma source(%dma_start3A_84 : memref<1000000x64xf32, #tpu.memory_space<hbm>>) target(%arg14 : memref<128x64xf32, #tpu.memory_space<vmem>>) offsets(%dma_start3A_81 : memref<128xi32, #tpu.memory_space<vmem>>) semaphore(%arg23 : memref<!tpu.dma_semaphore, #tpu.memory_space<semaphore_mem>>)
      %add3A_85 = arith.constant 7 : i32
      %add3A_86 = arith.addi %add3A_29, %add3A_85 : i32
      %dma_start3A_87 = arith.constant 0 : i32
      %dma_start3A_88 = tpu.memref_slice %arg6[%add3A_86, %dma_start3A_87] : memref<200x128xi32, #tpu.memory_space<vmem>> -> memref<1x128xi32, #tpu.memory_space<vmem>>
      %dma_start3A_89 = tpu.memref_squeeze %dma_start3A_88 : memref<1x128xi32, #tpu.memory_space<vmem>> -> memref<128xi32, #tpu.memory_space<vmem>>
      %dma_start3A_90 = arith.constant 0 : i32
      %dma_start3A_91 = arith.constant 0 : i32
      %dma_start3A_92 = tpu.memref_slice %arg4[%dma_start3A_90, %dma_start3A_91] : memref<1000000x64xf32, #tpu.memory_space<hbm>> -> memref<1000000x64xf32, #tpu.memory_space<hbm>>
      tpu.enqueue_indirect_dma source(%dma_start3A_92 : memref<1000000x64xf32, #tpu.memory_space<hbm>>) target(%arg15 : memref<128x64xf32, #tpu.memory_space<vmem>>) offsets(%dma_start3A_89 : memref<128xi32, #tpu.memory_space<vmem>>) semaphore(%arg24 : memref<!tpu.dma_semaphore, #tpu.memory_space<semaphore_mem>>)
      %dma_wait3A = arith.constant 0 : i32
      %dma_wait3A_93 = tpu.memref_slice %arg6[%add3A_31, %dma_wait3A] : memref<200x128xi32, #tpu.memory_space<vmem>> -> memref<1x128xi32, #tpu.memory_space<vmem>>
      %dma_wait3A_94 = tpu.memref_squeeze %dma_wait3A_93 : memref<1x128xi32, #tpu.memory_space<vmem>> -> memref<128xi32, #tpu.memory_space<vmem>>
      %dma_wait3A_95 = arith.constant 0 : i32
      %dma_wait3A_96 = arith.constant 0 : i32
      %dma_wait3A_97 = tpu.memref_slice %arg4[%dma_wait3A_95, %dma_wait3A_96] : memref<1000000x64xf32, #tpu.memory_space<hbm>> -> memref<1000000x64xf32, #tpu.memory_space<hbm>>
      tpu.wait_indirect_dma semaphore(%arg17 : memref<!tpu.dma_semaphore, #tpu.memory_space<semaphore_mem>>) src(%dma_wait3A_97 : memref<1000000x64xf32, #tpu.memory_space<hbm>>) dst(%arg8 : memref<128x64xf32, #tpu.memory_space<vmem>>)
      %add3A_98 = arith.constant 0 : i32
      %add3A_99 = arith.addi %add3A_29, %add3A_98 : i32
      "tpu.region"() ({
        %run_scoped3A = tpu.sem_alloc : memref<!tpu.dma_semaphore, #tpu.memory_space<semaphore_mem>>
        %dma_start3A_156 = arith.constant 0 : i32
        %dma_start3A_157 = tpu.memref_slice %arg7[%add3A_99, %dma_start3A_156] : memref<200x128xi32, #tpu.memory_space<vmem>> -> memref<1x128xi32, #tpu.memory_space<vmem>>
        %dma_start3A_158 = tpu.memref_squeeze %dma_start3A_157 : memref<1x128xi32, #tpu.memory_space<vmem>> -> memref<128xi32, #tpu.memory_space<vmem>>
        %dma_start3A_159 = arith.constant 0 : i32
        %dma_start3A_160 = arith.constant 0 : i32
        %dma_start3A_161 = tpu.memref_slice %arg16[%dma_start3A_159, %dma_start3A_160] : memref<2048x64xf32, #tpu.memory_space<vmem_shared>> -> memref<2048x64xf32, #tpu.memory_space<vmem_shared>>
        tpu.enqueue_indirect_dma source(%arg8 : memref<128x64xf32, #tpu.memory_space<vmem>>) target(%dma_start3A_161 : memref<2048x64xf32, #tpu.memory_space<vmem_shared>>) offsets(%dma_start3A_158 : memref<128xi32, #tpu.memory_space<vmem>>) semaphore(%run_scoped3A : memref<!tpu.dma_semaphore, #tpu.memory_space<semaphore_mem>>) {add = true}
        %dma_wait3A_162 = arith.constant 0 : i32
        %dma_wait3A_163 = tpu.memref_slice %arg7[%add3A_99, %dma_wait3A_162] : memref<200x128xi32, #tpu.memory_space<vmem>> -> memref<1x128xi32, #tpu.memory_space<vmem>>
        %dma_wait3A_164 = tpu.memref_squeeze %dma_wait3A_163 : memref<1x128xi32, #tpu.memory_space<vmem>> -> memref<128xi32, #tpu.memory_space<vmem>>
        %dma_wait3A_165 = arith.constant 0 : i32
        %dma_wait3A_166 = arith.constant 0 : i32
        %dma_wait3A_167 = tpu.memref_slice %arg16[%dma_wait3A_165, %dma_wait3A_166] : memref<2048x64xf32, #tpu.memory_space<vmem_shared>> -> memref<2048x64xf32, #tpu.memory_space<vmem_shared>>
        tpu.wait_indirect_dma semaphore(%run_scoped3A : memref<!tpu.dma_semaphore, #tpu.memory_space<semaphore_mem>>) src(%arg8 : memref<128x64xf32, #tpu.memory_space<vmem>>) dst(%dma_wait3A_167 : memref<2048x64xf32, #tpu.memory_space<vmem_shared>>)
        tpu.yield
      }) : () -> ()
      %dma_wait3A_100 = arith.constant 0 : i32
      %dma_wait3A_101 = tpu.memref_slice %arg6[%add3A_38, %dma_wait3A_100] : memref<200x128xi32, #tpu.memory_space<vmem>> -> memref<1x128xi32, #tpu.memory_space<vmem>>
      %dma_wait3A_102 = tpu.memref_squeeze %dma_wait3A_101 : memref<1x128xi32, #tpu.memory_space<vmem>> -> memref<128xi32, #tpu.memory_space<vmem>>
      %dma_wait3A_103 = arith.constant 0 : i32
      %dma_wait3A_104 = arith.constant 0 : i32
      %dma_wait3A_105 = tpu.memref_slice %arg4[%dma_wait3A_103, %dma_wait3A_104] : memref<1000000x64xf32, #tpu.memory_space<hbm>> -> memref<1000000x64xf32, #tpu.memory_space<hbm>>
      tpu.wait_indirect_dma semaphore(%arg18 : memref<!tpu.dma_semaphore, #tpu.memory_space<semaphore_mem>>) src(%dma_wait3A_105 : memref<1000000x64xf32, #tpu.memory_space<hbm>>) dst(%arg9 : memref<128x64xf32, #tpu.memory_space<vmem>>)
      %add3A_106 = arith.constant 1 : i32
      %add3A_107 = arith.addi %add3A_29, %add3A_106 : i32
      "tpu.region"() ({
        %run_scoped3A = tpu.sem_alloc : memref<!tpu.dma_semaphore, #tpu.memory_space<semaphore_mem>>
        %dma_start3A_156 = arith.constant 0 : i32
        %dma_start3A_157 = tpu.memref_slice %arg7[%add3A_107, %dma_start3A_156] : memref<200x128xi32, #tpu.memory_space<vmem>> -> memref<1x128xi32, #tpu.memory_space<vmem>>
        %dma_start3A_158 = tpu.memref_squeeze %dma_start3A_157 : memref<1x128xi32, #tpu.memory_space<vmem>> -> memref<128xi32, #tpu.memory_space<vmem>>
        %dma_start3A_159 = arith.constant 0 : i32
        %dma_start3A_160 = arith.constant 0 : i32
        %dma_start3A_161 = tpu.memref_slice %arg16[%dma_start3A_159, %dma_start3A_160] : memref<2048x64xf32, #tpu.memory_space<vmem_shared>> -> memref<2048x64xf32, #tpu.memory_space<vmem_shared>>
        tpu.enqueue_indirect_dma source(%arg9 : memref<128x64xf32, #tpu.memory_space<vmem>>) target(%dma_start3A_161 : memref<2048x64xf32, #tpu.memory_space<vmem_shared>>) offsets(%dma_start3A_158 : memref<128xi32, #tpu.memory_space<vmem>>) semaphore(%run_scoped3A : memref<!tpu.dma_semaphore, #tpu.memory_space<semaphore_mem>>) {add = true}
        %dma_wait3A_162 = arith.constant 0 : i32
        %dma_wait3A_163 = tpu.memref_slice %arg7[%add3A_107, %dma_wait3A_162] : memref<200x128xi32, #tpu.memory_space<vmem>> -> memref<1x128xi32, #tpu.memory_space<vmem>>
        %dma_wait3A_164 = tpu.memref_squeeze %dma_wait3A_163 : memref<1x128xi32, #tpu.memory_space<vmem>> -> memref<128xi32, #tpu.memory_space<vmem>>
        %dma_wait3A_165 = arith.constant 0 : i32
        %dma_wait3A_166 = arith.constant 0 : i32
        %dma_wait3A_167 = tpu.memref_slice %arg16[%dma_wait3A_165, %dma_wait3A_166] : memref<2048x64xf32, #tpu.memory_space<vmem_shared>> -> memref<2048x64xf32, #tpu.memory_space<vmem_shared>>
        tpu.wait_indirect_dma semaphore(%run_scoped3A : memref<!tpu.dma_semaphore, #tpu.memory_space<semaphore_mem>>) src(%arg9 : memref<128x64xf32, #tpu.memory_space<vmem>>) dst(%dma_wait3A_167 : memref<2048x64xf32, #tpu.memory_space<vmem_shared>>)
        tpu.yield
      }) : () -> ()
      %dma_wait3A_108 = arith.constant 0 : i32
      %dma_wait3A_109 = tpu.memref_slice %arg6[%add3A_46, %dma_wait3A_108] : memref<200x128xi32, #tpu.memory_space<vmem>> -> memref<1x128xi32, #tpu.memory_space<vmem>>
      %dma_wait3A_110 = tpu.memref_squeeze %dma_wait3A_109 : memref<1x128xi32, #tpu.memory_space<vmem>> -> memref<128xi32, #tpu.memory_space<vmem>>
      %dma_wait3A_111 = arith.constant 0 : i32
      %dma_wait3A_112 = arith.constant 0 : i32
      %dma_wait3A_113 = tpu.memref_slice %arg4[%dma_wait3A_111, %dma_wait3A_112] : memref<1000000x64xf32, #tpu.memory_space<hbm>> -> memref<1000000x64xf32, #tpu.memory_space<hbm>>
      tpu.wait_indirect_dma semaphore(%arg19 : memref<!tpu.dma_semaphore, #tpu.memory_space<semaphore_mem>>) src(%dma_wait3A_113 : memref<1000000x64xf32, #tpu.memory_space<hbm>>) dst(%arg10 : memref<128x64xf32, #tpu.memory_space<vmem>>)
      %add3A_114 = arith.constant 2 : i32
      %add3A_115 = arith.addi %add3A_29, %add3A_114 : i32
      "tpu.region"() ({
        %run_scoped3A = tpu.sem_alloc : memref<!tpu.dma_semaphore, #tpu.memory_space<semaphore_mem>>
        %dma_start3A_156 = arith.constant 0 : i32
        %dma_start3A_157 = tpu.memref_slice %arg7[%add3A_115, %dma_start3A_156] : memref<200x128xi32, #tpu.memory_space<vmem>> -> memref<1x128xi32, #tpu.memory_space<vmem>>
        %dma_start3A_158 = tpu.memref_squeeze %dma_start3A_157 : memref<1x128xi32, #tpu.memory_space<vmem>> -> memref<128xi32, #tpu.memory_space<vmem>>
        %dma_start3A_159 = arith.constant 0 : i32
        %dma_start3A_160 = arith.constant 0 : i32
        %dma_start3A_161 = tpu.memref_slice %arg16[%dma_start3A_159, %dma_start3A_160] : memref<2048x64xf32, #tpu.memory_space<vmem_shared>> -> memref<2048x64xf32, #tpu.memory_space<vmem_shared>>
        tpu.enqueue_indirect_dma source(%arg10 : memref<128x64xf32, #tpu.memory_space<vmem>>) target(%dma_start3A_161 : memref<2048x64xf32, #tpu.memory_space<vmem_shared>>) offsets(%dma_start3A_158 : memref<128xi32, #tpu.memory_space<vmem>>) semaphore(%run_scoped3A : memref<!tpu.dma_semaphore, #tpu.memory_space<semaphore_mem>>) {add = true}
        %dma_wait3A_162 = arith.constant 0 : i32
        %dma_wait3A_163 = tpu.memref_slice %arg7[%add3A_115, %dma_wait3A_162] : memref<200x128xi32, #tpu.memory_space<vmem>> -> memref<1x128xi32, #tpu.memory_space<vmem>>
        %dma_wait3A_164 = tpu.memref_squeeze %dma_wait3A_163 : memref<1x128xi32, #tpu.memory_space<vmem>> -> memref<128xi32, #tpu.memory_space<vmem>>
        %dma_wait3A_165 = arith.constant 0 : i32
        %dma_wait3A_166 = arith.constant 0 : i32
        %dma_wait3A_167 = tpu.memref_slice %arg16[%dma_wait3A_165, %dma_wait3A_166] : memref<2048x64xf32, #tpu.memory_space<vmem_shared>> -> memref<2048x64xf32, #tpu.memory_space<vmem_shared>>
        tpu.wait_indirect_dma semaphore(%run_scoped3A : memref<!tpu.dma_semaphore, #tpu.memory_space<semaphore_mem>>) src(%arg10 : memref<128x64xf32, #tpu.memory_space<vmem>>) dst(%dma_wait3A_167 : memref<2048x64xf32, #tpu.memory_space<vmem_shared>>)
        tpu.yield
      }) : () -> ()
      %dma_wait3A_116 = arith.constant 0 : i32
      %dma_wait3A_117 = tpu.memref_slice %arg6[%add3A_54, %dma_wait3A_116] : memref<200x128xi32, #tpu.memory_space<vmem>> -> memref<1x128xi32, #tpu.memory_space<vmem>>
      %dma_wait3A_118 = tpu.memref_squeeze %dma_wait3A_117 : memref<1x128xi32, #tpu.memory_space<vmem>> -> memref<128xi32, #tpu.memory_space<vmem>>
      %dma_wait3A_119 = arith.constant 0 : i32
      %dma_wait3A_120 = arith.constant 0 : i32
      %dma_wait3A_121 = tpu.memref_slice %arg4[%dma_wait3A_119, %dma_wait3A_120] : memref<1000000x64xf32, #tpu.memory_space<hbm>> -> memref<1000000x64xf32, #tpu.memory_space<hbm>>
      tpu.wait_indirect_dma semaphore(%arg20 : memref<!tpu.dma_semaphore, #tpu.memory_space<semaphore_mem>>) src(%dma_wait3A_121 : memref<1000000x64xf32, #tpu.memory_space<hbm>>) dst(%arg11 : memref<128x64xf32, #tpu.memory_space<vmem>>)
      %add3A_122 = arith.constant 3 : i32
      %add3A_123 = arith.addi %add3A_29, %add3A_122 : i32
      "tpu.region"() ({
        %run_scoped3A = tpu.sem_alloc : memref<!tpu.dma_semaphore, #tpu.memory_space<semaphore_mem>>
        %dma_start3A_156 = arith.constant 0 : i32
        %dma_start3A_157 = tpu.memref_slice %arg7[%add3A_123, %dma_start3A_156] : memref<200x128xi32, #tpu.memory_space<vmem>> -> memref<1x128xi32, #tpu.memory_space<vmem>>
        %dma_start3A_158 = tpu.memref_squeeze %dma_start3A_157 : memref<1x128xi32, #tpu.memory_space<vmem>> -> memref<128xi32, #tpu.memory_space<vmem>>
        %dma_start3A_159 = arith.constant 0 : i32
        %dma_start3A_160 = arith.constant 0 : i32
        %dma_start3A_161 = tpu.memref_slice %arg16[%dma_start3A_159, %dma_start3A_160] : memref<2048x64xf32, #tpu.memory_space<vmem_shared>> -> memref<2048x64xf32, #tpu.memory_space<vmem_shared>>
        tpu.enqueue_indirect_dma source(%arg11 : memref<128x64xf32, #tpu.memory_space<vmem>>) target(%dma_start3A_161 : memref<2048x64xf32, #tpu.memory_space<vmem_shared>>) offsets(%dma_start3A_158 : memref<128xi32, #tpu.memory_space<vmem>>) semaphore(%run_scoped3A : memref<!tpu.dma_semaphore, #tpu.memory_space<semaphore_mem>>) {add = true}
        %dma_wait3A_162 = arith.constant 0 : i32
        %dma_wait3A_163 = tpu.memref_slice %arg7[%add3A_123, %dma_wait3A_162] : memref<200x128xi32, #tpu.memory_space<vmem>> -> memref<1x128xi32, #tpu.memory_space<vmem>>
        %dma_wait3A_164 = tpu.memref_squeeze %dma_wait3A_163 : memref<1x128xi32, #tpu.memory_space<vmem>> -> memref<128xi32, #tpu.memory_space<vmem>>
        %dma_wait3A_165 = arith.constant 0 : i32
        %dma_wait3A_166 = arith.constant 0 : i32
        %dma_wait3A_167 = tpu.memref_slice %arg16[%dma_wait3A_165, %dma_wait3A_166] : memref<2048x64xf32, #tpu.memory_space<vmem_shared>> -> memref<2048x64xf32, #tpu.memory_space<vmem_shared>>
        tpu.wait_indirect_dma semaphore(%run_scoped3A : memref<!tpu.dma_semaphore, #tpu.memory_space<semaphore_mem>>) src(%arg11 : memref<128x64xf32, #tpu.memory_space<vmem>>) dst(%dma_wait3A_167 : memref<2048x64xf32, #tpu.memory_space<vmem_shared>>)
        tpu.yield
      }) : () -> ()
      %dma_wait3A_124 = arith.constant 0 : i32
      %dma_wait3A_125 = tpu.memref_slice %arg6[%add3A_62, %dma_wait3A_124] : memref<200x128xi32, #tpu.memory_space<vmem>> -> memref<1x128xi32, #tpu.memory_space<vmem>>
      %dma_wait3A_126 = tpu.memref_squeeze %dma_wait3A_125 : memref<1x128xi32, #tpu.memory_space<vmem>> -> memref<128xi32, #tpu.memory_space<vmem>>
      %dma_wait3A_127 = arith.constant 0 : i32
      %dma_wait3A_128 = arith.constant 0 : i32
      %dma_wait3A_129 = tpu.memref_slice %arg4[%dma_wait3A_127, %dma_wait3A_128] : memref<1000000x64xf32, #tpu.memory_space<hbm>> -> memref<1000000x64xf32, #tpu.memory_space<hbm>>
      tpu.wait_indirect_dma semaphore(%arg21 : memref<!tpu.dma_semaphore, #tpu.memory_space<semaphore_mem>>) src(%dma_wait3A_129 : memref<1000000x64xf32, #tpu.memory_space<hbm>>) dst(%arg12 : memref<128x64xf32, #tpu.memory_space<vmem>>)
      %add3A_130 = arith.constant 4 : i32
      %add3A_131 = arith.addi %add3A_29, %add3A_130 : i32
      "tpu.region"() ({
        %run_scoped3A = tpu.sem_alloc : memref<!tpu.dma_semaphore, #tpu.memory_space<semaphore_mem>>
        %dma_start3A_156 = arith.constant 0 : i32
        %dma_start3A_157 = tpu.memref_slice %arg7[%add3A_131, %dma_start3A_156] : memref<200x128xi32, #tpu.memory_space<vmem>> -> memref<1x128xi32, #tpu.memory_space<vmem>>
        %dma_start3A_158 = tpu.memref_squeeze %dma_start3A_157 : memref<1x128xi32, #tpu.memory_space<vmem>> -> memref<128xi32, #tpu.memory_space<vmem>>
        %dma_start3A_159 = arith.constant 0 : i32
        %dma_start3A_160 = arith.constant 0 : i32
        %dma_start3A_161 = tpu.memref_slice %arg16[%dma_start3A_159, %dma_start3A_160] : memref<2048x64xf32, #tpu.memory_space<vmem_shared>> -> memref<2048x64xf32, #tpu.memory_space<vmem_shared>>
        tpu.enqueue_indirect_dma source(%arg12 : memref<128x64xf32, #tpu.memory_space<vmem>>) target(%dma_start3A_161 : memref<2048x64xf32, #tpu.memory_space<vmem_shared>>) offsets(%dma_start3A_158 : memref<128xi32, #tpu.memory_space<vmem>>) semaphore(%run_scoped3A : memref<!tpu.dma_semaphore, #tpu.memory_space<semaphore_mem>>) {add = true}
        %dma_wait3A_162 = arith.constant 0 : i32
        %dma_wait3A_163 = tpu.memref_slice %arg7[%add3A_131, %dma_wait3A_162] : memref<200x128xi32, #tpu.memory_space<vmem>> -> memref<1x128xi32, #tpu.memory_space<vmem>>
        %dma_wait3A_164 = tpu.memref_squeeze %dma_wait3A_163 : memref<1x128xi32, #tpu.memory_space<vmem>> -> memref<128xi32, #tpu.memory_space<vmem>>
        %dma_wait3A_165 = arith.constant 0 : i32
        %dma_wait3A_166 = arith.constant 0 : i32
        %dma_wait3A_167 = tpu.memref_slice %arg16[%dma_wait3A_165, %dma_wait3A_166] : memref<2048x64xf32, #tpu.memory_space<vmem_shared>> -> memref<2048x64xf32, #tpu.memory_space<vmem_shared>>
        tpu.wait_indirect_dma semaphore(%run_scoped3A : memref<!tpu.dma_semaphore, #tpu.memory_space<semaphore_mem>>) src(%arg12 : memref<128x64xf32, #tpu.memory_space<vmem>>) dst(%dma_wait3A_167 : memref<2048x64xf32, #tpu.memory_space<vmem_shared>>)
        tpu.yield
      }) : () -> ()
      %dma_wait3A_132 = arith.constant 0 : i32
      %dma_wait3A_133 = tpu.memref_slice %arg6[%add3A_70, %dma_wait3A_132] : memref<200x128xi32, #tpu.memory_space<vmem>> -> memref<1x128xi32, #tpu.memory_space<vmem>>
      %dma_wait3A_134 = tpu.memref_squeeze %dma_wait3A_133 : memref<1x128xi32, #tpu.memory_space<vmem>> -> memref<128xi32, #tpu.memory_space<vmem>>
      %dma_wait3A_135 = arith.constant 0 : i32
      %dma_wait3A_136 = arith.constant 0 : i32
      %dma_wait3A_137 = tpu.memref_slice %arg4[%dma_wait3A_135, %dma_wait3A_136] : memref<1000000x64xf32, #tpu.memory_space<hbm>> -> memref<1000000x64xf32, #tpu.memory_space<hbm>>
      tpu.wait_indirect_dma semaphore(%arg22 : memref<!tpu.dma_semaphore, #tpu.memory_space<semaphore_mem>>) src(%dma_wait3A_137 : memref<1000000x64xf32, #tpu.memory_space<hbm>>) dst(%arg13 : memref<128x64xf32, #tpu.memory_space<vmem>>)
      %add3A_138 = arith.constant 5 : i32
      %add3A_139 = arith.addi %add3A_29, %add3A_138 : i32
      "tpu.region"() ({
        %run_scoped3A = tpu.sem_alloc : memref<!tpu.dma_semaphore, #tpu.memory_space<semaphore_mem>>
        %dma_start3A_156 = arith.constant 0 : i32
        %dma_start3A_157 = tpu.memref_slice %arg7[%add3A_139, %dma_start3A_156] : memref<200x128xi32, #tpu.memory_space<vmem>> -> memref<1x128xi32, #tpu.memory_space<vmem>>
        %dma_start3A_158 = tpu.memref_squeeze %dma_start3A_157 : memref<1x128xi32, #tpu.memory_space<vmem>> -> memref<128xi32, #tpu.memory_space<vmem>>
        %dma_start3A_159 = arith.constant 0 : i32
        %dma_start3A_160 = arith.constant 0 : i32
        %dma_start3A_161 = tpu.memref_slice %arg16[%dma_start3A_159, %dma_start3A_160] : memref<2048x64xf32, #tpu.memory_space<vmem_shared>> -> memref<2048x64xf32, #tpu.memory_space<vmem_shared>>
        tpu.enqueue_indirect_dma source(%arg13 : memref<128x64xf32, #tpu.memory_space<vmem>>) target(%dma_start3A_161 : memref<2048x64xf32, #tpu.memory_space<vmem_shared>>) offsets(%dma_start3A_158 : memref<128xi32, #tpu.memory_space<vmem>>) semaphore(%run_scoped3A : memref<!tpu.dma_semaphore, #tpu.memory_space<semaphore_mem>>) {add = true}
        %dma_wait3A_162 = arith.constant 0 : i32
        %dma_wait3A_163 = tpu.memref_slice %arg7[%add3A_139, %dma_wait3A_162] : memref<200x128xi32, #tpu.memory_space<vmem>> -> memref<1x128xi32, #tpu.memory_space<vmem>>
        %dma_wait3A_164 = tpu.memref_squeeze %dma_wait3A_163 : memref<1x128xi32, #tpu.memory_space<vmem>> -> memref<128xi32, #tpu.memory_space<vmem>>
        %dma_wait3A_165 = arith.constant 0 : i32
        %dma_wait3A_166 = arith.constant 0 : i32
        %dma_wait3A_167 = tpu.memref_slice %arg16[%dma_wait3A_165, %dma_wait3A_166] : memref<2048x64xf32, #tpu.memory_space<vmem_shared>> -> memref<2048x64xf32, #tpu.memory_space<vmem_shared>>
        tpu.wait_indirect_dma semaphore(%run_scoped3A : memref<!tpu.dma_semaphore, #tpu.memory_space<semaphore_mem>>) src(%arg13 : memref<128x64xf32, #tpu.memory_space<vmem>>) dst(%dma_wait3A_167 : memref<2048x64xf32, #tpu.memory_space<vmem_shared>>)
        tpu.yield
      }) : () -> ()
      %dma_wait3A_140 = arith.constant 0 : i32
      %dma_wait3A_141 = tpu.memref_slice %arg6[%add3A_78, %dma_wait3A_140] : memref<200x128xi32, #tpu.memory_space<vmem>> -> memref<1x128xi32, #tpu.memory_space<vmem>>
      %dma_wait3A_142 = tpu.memref_squeeze %dma_wait3A_141 : memref<1x128xi32, #tpu.memory_space<vmem>> -> memref<128xi32, #tpu.memory_space<vmem>>
      %dma_wait3A_143 = arith.constant 0 : i32
      %dma_wait3A_144 = arith.constant 0 : i32
      %dma_wait3A_145 = tpu.memref_slice %arg4[%dma_wait3A_143, %dma_wait3A_144] : memref<1000000x64xf32, #tpu.memory_space<hbm>> -> memref<1000000x64xf32, #tpu.memory_space<hbm>>
      tpu.wait_indirect_dma semaphore(%arg23 : memref<!tpu.dma_semaphore, #tpu.memory_space<semaphore_mem>>) src(%dma_wait3A_145 : memref<1000000x64xf32, #tpu.memory_space<hbm>>) dst(%arg14 : memref<128x64xf32, #tpu.memory_space<vmem>>)
      %add3A_146 = arith.constant 6 : i32
      %add3A_147 = arith.addi %add3A_29, %add3A_146 : i32
      "tpu.region"() ({
        %run_scoped3A = tpu.sem_alloc : memref<!tpu.dma_semaphore, #tpu.memory_space<semaphore_mem>>
        %dma_start3A_156 = arith.constant 0 : i32
        %dma_start3A_157 = tpu.memref_slice %arg7[%add3A_147, %dma_start3A_156] : memref<200x128xi32, #tpu.memory_space<vmem>> -> memref<1x128xi32, #tpu.memory_space<vmem>>
        %dma_start3A_158 = tpu.memref_squeeze %dma_start3A_157 : memref<1x128xi32, #tpu.memory_space<vmem>> -> memref<128xi32, #tpu.memory_space<vmem>>
        %dma_start3A_159 = arith.constant 0 : i32
        %dma_start3A_160 = arith.constant 0 : i32
        %dma_start3A_161 = tpu.memref_slice %arg16[%dma_start3A_159, %dma_start3A_160] : memref<2048x64xf32, #tpu.memory_space<vmem_shared>> -> memref<2048x64xf32, #tpu.memory_space<vmem_shared>>
        tpu.enqueue_indirect_dma source(%arg14 : memref<128x64xf32, #tpu.memory_space<vmem>>) target(%dma_start3A_161 : memref<2048x64xf32, #tpu.memory_space<vmem_shared>>) offsets(%dma_start3A_158 : memref<128xi32, #tpu.memory_space<vmem>>) semaphore(%run_scoped3A : memref<!tpu.dma_semaphore, #tpu.memory_space<semaphore_mem>>) {add = true}
        %dma_wait3A_162 = arith.constant 0 : i32
        %dma_wait3A_163 = tpu.memref_slice %arg7[%add3A_147, %dma_wait3A_162] : memref<200x128xi32, #tpu.memory_space<vmem>> -> memref<1x128xi32, #tpu.memory_space<vmem>>
        %dma_wait3A_164 = tpu.memref_squeeze %dma_wait3A_163 : memref<1x128xi32, #tpu.memory_space<vmem>> -> memref<128xi32, #tpu.memory_space<vmem>>
        %dma_wait3A_165 = arith.constant 0 : i32
        %dma_wait3A_166 = arith.constant 0 : i32
        %dma_wait3A_167 = tpu.memref_slice %arg16[%dma_wait3A_165, %dma_wait3A_166] : memref<2048x64xf32, #tpu.memory_space<vmem_shared>> -> memref<2048x64xf32, #tpu.memory_space<vmem_shared>>
        tpu.wait_indirect_dma semaphore(%run_scoped3A : memref<!tpu.dma_semaphore, #tpu.memory_space<semaphore_mem>>) src(%arg14 : memref<128x64xf32, #tpu.memory_space<vmem>>) dst(%dma_wait3A_167 : memref<2048x64xf32, #tpu.memory_space<vmem_shared>>)
        tpu.yield
      }) : () -> ()
      %dma_wait3A_148 = arith.constant 0 : i32
      %dma_wait3A_149 = tpu.memref_slice %arg6[%add3A_86, %dma_wait3A_148] : memref<200x128xi32, #tpu.memory_space<vmem>> -> memref<1x128xi32, #tpu.memory_space<vmem>>
      %dma_wait3A_150 = tpu.memref_squeeze %dma_wait3A_149 : memref<1x128xi32, #tpu.memory_space<vmem>> -> memref<128xi32, #tpu.memory_space<vmem>>
      %dma_wait3A_151 = arith.constant 0 : i32
      %dma_wait3A_152 = arith.constant 0 : i32
      %dma_wait3A_153 = tpu.memref_slice %arg4[%dma_wait3A_151, %dma_wait3A_152] : memref<1000000x64xf32, #tpu.memory_space<hbm>> -> memref<1000000x64xf32, #tpu.memory_space<hbm>>
      tpu.wait_indirect_dma semaphore(%arg24 : memref<!tpu.dma_semaphore, #tpu.memory_space<semaphore_mem>>) src(%dma_wait3A_153 : memref<1000000x64xf32, #tpu.memory_space<hbm>>) dst(%arg15 : memref<128x64xf32, #tpu.memory_space<vmem>>)
      %add3A_154 = arith.constant 7 : i32
      %add3A_155 = arith.addi %add3A_29, %add3A_154 : i32
      "tpu.region"() ({
        %run_scoped3A = tpu.sem_alloc : memref<!tpu.dma_semaphore, #tpu.memory_space<semaphore_mem>>
        %dma_start3A_156 = arith.constant 0 : i32
        %dma_start3A_157 = tpu.memref_slice %arg7[%add3A_155, %dma_start3A_156] : memref<200x128xi32, #tpu.memory_space<vmem>> -> memref<1x128xi32, #tpu.memory_space<vmem>>
        %dma_start3A_158 = tpu.memref_squeeze %dma_start3A_157 : memref<1x128xi32, #tpu.memory_space<vmem>> -> memref<128xi32, #tpu.memory_space<vmem>>
        %dma_start3A_159 = arith.constant 0 : i32
        %dma_start3A_160 = arith.constant 0 : i32
        %dma_start3A_161 = tpu.memref_slice %arg16[%dma_start3A_159, %dma_start3A_160] : memref<2048x64xf32, #tpu.memory_space<vmem_shared>> -> memref<2048x64xf32, #tpu.memory_space<vmem_shared>>
        tpu.enqueue_indirect_dma source(%arg15 : memref<128x64xf32, #tpu.memory_space<vmem>>) target(%dma_start3A_161 : memref<2048x64xf32, #tpu.memory_space<vmem_shared>>) offsets(%dma_start3A_158 : memref<128xi32, #tpu.memory_space<vmem>>) semaphore(%run_scoped3A : memref<!tpu.dma_semaphore, #tpu.memory_space<semaphore_mem>>) {add = true}
        %dma_wait3A_162 = arith.constant 0 : i32
        %dma_wait3A_163 = tpu.memref_slice %arg7[%add3A_155, %dma_wait3A_162] : memref<200x128xi32, #tpu.memory_space<vmem>> -> memref<1x128xi32, #tpu.memory_space<vmem>>
        %dma_wait3A_164 = tpu.memref_squeeze %dma_wait3A_163 : memref<1x128xi32, #tpu.memory_space<vmem>> -> memref<128xi32, #tpu.memory_space<vmem>>
        %dma_wait3A_165 = arith.constant 0 : i32
        %dma_wait3A_166 = arith.constant 0 : i32
        %dma_wait3A_167 = tpu.memref_slice %arg16[%dma_wait3A_165, %dma_wait3A_166] : memref<2048x64xf32, #tpu.memory_space<vmem_shared>> -> memref<2048x64xf32, #tpu.memory_space<vmem_shared>>
        tpu.wait_indirect_dma semaphore(%run_scoped3A : memref<!tpu.dma_semaphore, #tpu.memory_space<semaphore_mem>>) src(%arg15 : memref<128x64xf32, #tpu.memory_space<vmem>>) dst(%dma_wait3A_167 : memref<2048x64xf32, #tpu.memory_space<vmem_shared>>)
        tpu.yield
      }) : () -> ()
    }
    %scan3A_22 = arith.constant 25 : i32
    %mul3A_23 = arith.constant 128 : i32
    %mul3A_24 = arith.muli %arg1, %mul3A_23 : i32
    "tpu.region"() ({
      %run_scoped3A = tpu.sem_alloc : memref<!tpu.dma_semaphore, #tpu.memory_space<semaphore_mem>>
      %dma_start3A = arith.constant 0 : i32
      %dma_start3A_25 = tpu.memref_slice %arg5[%mul3A_2, %dma_start3A] : memref<4096x64xf32, #tpu.memory_space<hbm>> -> memref<128x64xf32, #tpu.memory_space<hbm>>
      %dma_start3A_26 = arith.constant 0 : i32
      %dma_start3A_27 = tpu.memref_slice %arg16[%mul3A_24, %dma_start3A_26] : memref<2048x64xf32, #tpu.memory_space<vmem_shared>> -> memref<128x64xf32, #tpu.memory_space<vmem_shared>>
      tpu.enqueue_dma source(%dma_start3A_27 : memref<128x64xf32, #tpu.memory_space<vmem_shared>>) target(%dma_start3A_25 : memref<128x64xf32, #tpu.memory_space<hbm>>) target_semaphore(%run_scoped3A : memref<!tpu.dma_semaphore, #tpu.memory_space<semaphore_mem>>)
      %dma_wait3A = arith.constant 0 : i32
      %dma_wait3A_28 = tpu.memref_slice %arg5[%mul3A_2, %dma_wait3A] : memref<4096x64xf32, #tpu.memory_space<hbm>> -> memref<128x64xf32, #tpu.memory_space<hbm>>
      %dma_wait3A_29 = arith.constant 0 : i32
      %dma_wait3A_30 = tpu.memref_slice %arg16[%mul3A_24, %dma_wait3A_29] : memref<2048x64xf32, #tpu.memory_space<vmem_shared>> -> memref<128x64xf32, #tpu.memory_space<vmem_shared>>
      tpu.wait_dma2 semaphore(%run_scoped3A : memref<!tpu.dma_semaphore, #tpu.memory_space<semaphore_mem>>) src(%dma_wait3A_30 : memref<128x64xf32, #tpu.memory_space<vmem_shared>>) dst(%dma_wait3A_28 : memref<128x64xf32, #tpu.memory_space<hbm>>)
      tpu.yield
    }) : () -> ()
    return
  }
}

module attributes {stable_mosaic.version = 14 : i64} {
  func.func @body(%arg0: i32, %arg1: memref<256x64xf32, #tpu.memory_space<vmem>>, %arg2: memref<64x1000xf32, #tpu.memory_space<vmem>>, %arg3: memref<1x1000xf32, #tpu.memory_space<vmem>>, %arg4: memref<256x1000xf32, #tpu.memory_space<vmem>>) attributes {dimension_semantics = [#tpu.dimension_semantics<arbitrary>], iteration_bounds = array<i64: 16>, scalar_prefetch = 0 : i64, scratch_operands = 0 : i64, tpu.core_type = #tpu.core_type<tc>, window_params = [{transform_indices = @transform_0, window_bounds = array<i64: 256, 64>}, {pipeline_mode = #tpu.pipeline_mode<synchronous>, transform_indices = @transform_1, window_bounds = array<i64: 64, 1000>}, {pipeline_mode = #tpu.pipeline_mode<synchronous>, transform_indices = @transform_2, window_bounds = array<i64: 1, 1000>}, {transform_indices = @transform_3, window_bounds = array<i64: 256, 1000>}]} {
    %get3A = arith.constant 0 : index
    %get3A_0 = arith.constant 0 : index
    %get3A_1 = vector.load %arg1[%get3A, %get3A_0] : memref<256x64xf32, #tpu.memory_space<vmem>>, vector<256x64xf32>
    %get3A_2 = arith.constant 0 : index
    %get3A_3 = arith.constant 0 : index
    %get3A_4 = vector.load %arg2[%get3A_2, %get3A_3] : memref<64x1000xf32, #tpu.memory_space<vmem>>, vector<64x1000xf32>
    %dot_general3A = arith.constant dense<0.000000e+00> : vector<256x1000xf32>
    %dot_general3A_5 = tpu.matmul %get3A_1, %get3A_4, %dot_general3A {dimension_numbers = #tpu.dot_dimension_numbers<[1], [0], [0], [1], [0, 0, 1, 1], [], []>, precision = #tpu.contract_precision<fp32>, transpose_lhs_hint = false} : vector<256x64xf32>, vector<64x1000xf32>, vector<256x1000xf32> -> vector<256x1000xf32>
    %mul3A = arith.constant 5.000000e-03 : f32
    %mul3A_6 = vector.broadcast %mul3A : f32 to vector<256x1000xf32>
    %mul3A_7 = arith.mulf %dot_general3A_5, %mul3A_6 : vector<256x1000xf32>
    %get3A_8 = arith.constant 0 : index
    %get3A_9 = arith.constant 0 : index
    %get3A_10 = vector.load %arg3[%get3A_8, %get3A_9] : memref<1x1000xf32, #tpu.memory_space<vmem>>, vector<1x1000xf32>
    %add3A = vector.broadcast %get3A_10 : vector<1x1000xf32> to vector<256x1000xf32>
    %add3A_11 = arith.addf %mul3A_7, %add3A : vector<256x1000xf32>
    %swap3A = arith.constant 0 : index
    %swap3A_12 = arith.constant 0 : index
    %swap3A_13 = vector.load %arg4[%swap3A, %swap3A_12] : memref<256x1000xf32, #tpu.memory_space<vmem>>, vector<256x1000xf32>
    tpu.vector_store %arg4[%swap3A, %swap3A_12], %add3A_11 {strides = array<i32>} : memref<256x1000xf32, #tpu.memory_space<vmem>>, vector<256x1000xf32>,
    return
  }
  func.func @transform_0(%arg0: i32) -> (i32, i32) {
    %c0_i32 = arith.constant 0 : i32
    %c0_i32_0 = arith.constant 0 : i32
    return %arg0, %c0_i32 : i32, i32
  }
  func.func @transform_1(%arg0: i32) -> (i32, i32) {
    %c0_i32 = arith.constant 0 : i32
    %c0_i32_0 = arith.constant 0 : i32
    %c0_i32_1 = arith.constant 0 : i32
    return %c0_i32, %c0_i32_0 : i32, i32
  }
  func.func @transform_2(%arg0: i32) -> (i32, i32) {
    %c0_i32 = arith.constant 0 : i32
    %c0_i32_0 = arith.constant 0 : i32
    %c0_i32_1 = arith.constant 0 : i32
    return %c0_i32, %c0_i32_0 : i32, i32
  }
  func.func @transform_3(%arg0: i32) -> (i32, i32) {
    %c0_i32 = arith.constant 0 : i32
    %c0_i32_0 = arith.constant 0 : i32
    return %arg0, %c0_i32 : i32, i32
  }
}

</mosaic_0001>

<sc_bundles>
// kernel: kernel.4.cloned.1.call-start
scs
__scs_entry_jumppad:
0x0: {  	(pc) =	sbr.rel $0x88, $3  }
0x1: {  	(tag) =	ssettag $0x0;
	lr =	simm.s32 $0x1  }
0x2: {  	[smem:$0x3F9D] =	sst lr;
	_ =	strace $0xD0000000  }
0x3: {  	_ = 	snop  }
0x4: {  	_ = 	snop  }
0x5: {  	_ = 	snop  }
0x6: {  	_ = 	snop  }
0x7: {  	_ = 	snop  }
__scs_overlays_trampoline_lowered:
0x8: {  	[smem:$0x3FAC] =	sst s0  }
0x9: {  	[smem:$0x3FAD] =	sst s1  }
0xa: {  	[smem:$0x3FAE] =	sst s2  }
0xb: {  	[smem:$0x3FAF] =	sst s3  }
0xc: {  	[smem:$0x3FB0] =	sst s4  }
0xd: {  	[smem:$0x3FB1] =	sst s5  }
0xe: {  	[smem:$0x3FB2] =	sst s6  }
0xf: {  	[smem:$0x3FB3] =	sst s7  }
0x10: {  	[smem:$0x3FB4] =	sst s8  }
0x11: {  	[smem:$0x3FB5] =	sst s9;
	s0 =	simm.s32 @!p0 $0x0  }
0x12: {  	s1 =	sld [smem:$0x3F9B];
	s0 =	simm.s32 @p0 $0x1  }
0x13: {  	[smem:$0x3FB6] =	sst s0;
	s0 =	simm.s32 @!p1 $0x0  }
0x14: {  	s2 =	sld [smem:$0x3F9A];
	s0 =	simm.s32 @p1 $0x1  }
0x15: {  	[smem:$0x3FB7] =	sst s0;
	s0 =	simm.s32 @!p2 $0x0  }
0x16: {  	s3 =	sld [smem:$0x3FDB];
	s0 =	simm.s32 @p2 $0x1  }
0x17: {  	s4 =	simm.s32 $0x1BF5;
	[smem:$0x3FB9] =	sst s0  }
0x18: {  	s0 =	sld [smem:$0x3F9C];
	_ =	swait.ge [sflag:s4], $0x0  }
0x19: {  	s7 =	sld [smem:$0x3F9D]  }
0x1a: {  	s8 =	sadd.s32 $0xFFFFE003, lr  }
0x1b: {  	s9 =	sadd.s32 $0xFFFFFEF7, lr;
	s5 =	simm.s32 $0xFFFFFFFF;
	p2 =	slt.u32 s8, $0xFFFFF086  }
0x1c: {  	p1 =	slt.u32 s9, $0xF7A;
	s5 =	simm.s32 @!p2 $0x0  }
0x1d: {  	s5 =	simm.s32 @p1 $0x1;
	p0 =	seq.s32 s7, s2  }
0x1e: {  	s7 =	smul.u32 @!p0 $0xF7A, s2;
	p2 =	seq.s32 @!p0 s5, $0x0  }
0x1f: {  	s9 =	smul.u32 $0xF7A, s1;
	s8 =	simm.s32 @!p0 $0x1BF5;
	p2 =	por !p2, p0  }
0x20: {  	[sflag:s8] =	ssyncset.s32 @!p0 $0xFFFFF086;
	s6 =	sadd.s32 @!p0 s3, s7;
	s7 =	simm.s32 @!p0 $0x108  }
0x21: {  	s3 =	sadd.s32 s3, s9;
	s6 =	sadd.s32 @!p0 $0x88, s6;
	s7 =	simm.s32 @p2 $0x1082  }
0x22: {  	[simem:s7], [sflag:s8] =	dma.local @!p0 [hbm:s6], $0xF7A  }
0x23: {  	s9 =	sor.u32 $0xD0000000, s2;
	s6 =	simm.s32 $0x108;
	_ =	swait.ge @!p0 [sflag:s8], $0x0  }
0x24: {  	s3 =	sadd.s32 $0x88, s3;
	s6 =	simm.s32 @!p1 $0x1082;
	[sflag:s4] =	ssyncset.s32 $0xFFFFF086  }
0x25: {  	[simem:s6], [sflag:s4] =	dma.local [hbm:s3], $0xF7A  }
0x26: {  	[smem:$0x3F9D] =	sst s1;
	(tag) =	ssettag s2;
	_ =	strace s9  }
0x27: {  	s1 =	sld [smem:$0x3FAD]  }
0x28: {  	s2 =	sld [smem:$0x3FAE]  }
0x29: {  	s4 =	sld [smem:$0x3FB0]  }
0x2a: {  	p0 =	seq.s32 s5, $0x0;
	s5 =	sld [smem:$0x3FB1]  }
0x2b: {  	s6 =	sld [smem:$0x3FB2]  }
0x2c: {  	s7 =	sld [smem:$0x3FB3]  }
0x2d: {  	s3 =	simm.s32 $0x108;
	s8 =	sld [smem:$0x3FB4]  }
0x2e: {  	s3 =	simm.s32 @!p0 $0x1082;
	s9 =	sld [smem:$0x3FB5]  }
0x2f: {  	lr =	sadd.s32 s0, s3;
	s0 =	sld [smem:$0x3FAC]  }
0x30: {  	s3 =	sld [smem:$0x3FAF]  }
0x31: {  	[smem:$0x3FB8] =	sst s10  }
0x32: {  	s10 =	sld [smem:$0x3FB6];
	_ =	sdelay $0x3  }
0x33: {  	p0 =	seq.s32 s10, $0x1;
	s10 =	sld [smem:$0x3FB8];
	_ =	sdelay $0x3  }
0x34: {  	[smem:$0x3FB8] =	sst s10  }
0x35: {  	s10 =	sld [smem:$0x3FB7];
	_ =	sdelay $0x3  }
0x36: {  	p1 =	seq.s32 s10, $0x1;
	s10 =	sld [smem:$0x3FB8];
	_ =	sdelay $0x3  }
0x37: {  	[smem:$0x3FB8] =	sst s10  }
0x38: {  	s10 =	sld [smem:$0x3FB9]  }
0x39: {  	_ = 	snop;
	(pc) =	sbr.ind lr, $3  }
0x3a: {  	_ = 	snop  }
0x3b: {  	_ = 	snop  }
0x3c: {  	p2 =	seq.s32 s10, $0x1;
	s10 =	sld [smem:$0x3FB8]  }
0x3d: {  	_ =	shalt  }
0x3e: {  	_ =	shalt  }
0x3f: {  	_ =	shalt  }
0x40: {  	_ =	shalt  }
0x41: {  	_ =	shalt  }
0x42: {  	_ =	shalt  }
0x43: {  	_ =	shalt  }
0x44: {  	_ =	shalt  }
0x45: {  	_ =	shalt  }
0x46: {  	_ =	shalt  }
0x47: {  	_ =	shalt  }
0x48: {  	_ =	shalt  }
0x49: {  	_ =	shalt  }
0x4a: {  	_ =	shalt  }
0x4b: {  	_ =	shalt  }
0x4c: {  	_ =	shalt  }
0x4d: {  	_ =	shalt  }
0x4e: {  	_ =	shalt  }
0x4f: {  	_ =	shalt  }
0x50: {  	_ =	shalt  }
0x51: {  	_ =	shalt  }
0x52: {  	_ =	shalt  }
0x53: {  	_ =	shalt  }
0x54: {  	_ =	shalt  }
0x55: {  	_ =	shalt  }
0x56: {  	_ =	shalt  }
0x57: {  	_ =	shalt  }
0x58: {  	_ =	shalt  }
0x59: {  	_ =	shalt  }
0x5a: {  	_ =	shalt  }
0x5b: {  	_ =	shalt  }
0x5c: {  	_ =	shalt  }
0x5d: {  	_ =	shalt  }
0x5e: {  	_ =	shalt  }
0x5f: {  	_ =	shalt  }
0x60: {  	_ =	shalt  }
0x61: {  	_ =	shalt  }
0x62: {  	_ =	shalt  }
0x63: {  	_ =	shalt  }
0x64: {  	_ =	shalt  }
0x65: {  	_ =	shalt  }
0x66: {  	_ =	shalt  }
0x67: {  	_ =	shalt  }
0x68: {  	_ =	shalt  }
0x69: {  	_ =	shalt  }
0x6a: {  	_ =	shalt  }
0x6b: {  	_ =	shalt  }
0x6c: {  	_ =	shalt  }
0x6d: {  	_ =	shalt  }
0x6e: {  	_ =	shalt  }
0x6f: {  	_ =	shalt  }
0x70: {  	_ =	shalt  }
0x71: {  	_ =	shalt  }
0x72: {  	_ =	shalt  }
0x73: {  	_ =	shalt  }
0x74: {  	_ =	shalt  }
0x75: {  	_ =	shalt  }
0x76: {  	_ =	shalt  }
0x77: {  	_ =	shalt  }
0x78: {  	_ =	shalt  }
0x79: {  	_ =	shalt  }
0x7a: {  	_ =	shalt  }
0x7b: {  	_ =	shalt  }
0x7c: {  	_ =	shalt  }
0x7d: {  	_ =	shalt  }
0x7e: {  	_ =	shalt  }
0x7f: {  	_ =	shalt  }
0x80: {  	_ =	shalt  }
0x81: {  	_ =	shalt  }
0x82: {  	_ =	shalt  }
0x83: {  	_ =	shalt  }
0x84: {  	_ =	shalt  }
0x85: {  	_ =	shalt  }
0x86: {  	_ =	shalt  }
0x87: {  	_ =	shalt  }
.Lfunc_end0:
.L_simem_size_0:
called_computation_lowered:
.L_overlay_start_0:
0x88: {  	s2 =	sld [smem:$0x3FD9]  }
0x89: {  	s3 =	sld [smem:$0x3FFE];
	_ =	sdelay $0x1  }
0x8a: {  	s1 =	srdreg.scid  }
0x8b: {  	s0 =	sand.u32 $0x1, s1  }
0x8c: {  	s17 =	sshll.u32 s0, $0xA;
	s2 =	sadd.s32 s3, s2  }
0x8d: {  	s2 =	sadd.s32 s2, s17  }
0x8e: {  	[smem:$0x3FC4] =	sst s2  }
0x8f: {  	_ = 	snop  }
0x90: {  	s2 =	sld [smem:$0x3FD0];
	(tm) =	ssettm $0x1  }
0x91: {  	s18 =	sld [smem:$0x3FFB];
	_ =	sdelay $0x3  }
0x92: {  	_ =	strace s18  }
0x93: {  	s3 =	sld [smem:$0x3FFC];
	_ =	sdelay $0x3  }
0x94: {  	_ =	strace s3  }
0x95: {  	s3 =	sld [smem:$0x3FFD];
	_ =	sdelay $0x3  }
0x96: {  	_ =	strace s3  }
0x97: {  	_ =	strace $0x8FFFFFFF  }
0x98: {  	s19 =	sld [smem:$0x3FDB];
	_ =	sdelay $0x1  }
0x99: {  	s4 =	simm.s32 $_scs_section_size  }
0x9a: {  	s5 =	simm.s32 $_size__tile_overlayer_lowered;
	s6 =	simm.s32 $_tile_overlayer_lowered  }
0x9b: {  	s22 =	simm.s32 $0x1BFF;
	s21 =	sshll.u32 s6, $0x1;
	s3 =	sadd.s32 s4, s19  }
0x9c: {  	s7 =	simm.s32 $0x0;
	s20 =	sshll.u32 s5, $0x1;
	s5 =	sadd.s32 s21, s3  }
0x9d: {  	[timem:s7], [sflag:s22] =	dma.local [hbm:s5], s20  }
0x9e: {  	_ =	swait.ge [sflag:s22], s20  }
0x9f: {  	s4 =	ssub.s32 $0x0, s20;
	[sflag:s22] =	ssyncset.done $0x0  }
0xa0: {  	[sflag:s22] =	ssyncadd.s32 s4;
	_ =	sdelay $0x1  }
0xa1: {  	s23 =	simm.s32 $0x1B8B  }
0xa2: {  	_ =	swait.ge [sflag:s23], $0x1  }
0xa3: {  	[sflag:s23] =	ssyncset.done $0x0  }
0xa4: {  	s25 =	simm.s32 $0x1B8E;
	s24 =	sld [smem:$0x3FFE];
	[sflag:s23] =	ssyncadd.s32 $0xFFFFFFFF  }
0xa5: {  	s26 =	simm.s32 $execute0_lowered;
	[smem:$0x3FD2] =	sst s25  }
0xa6: {  	s5 =	sshll.u32 s26, $0x1;
	_ =	strace $0x80000046;
	[dreg:$0x1] =	wrdreg $0xFFFFFFFF  }
0xa7: {  	s28 =	simm.s32 $_size_execute0_lowered;
	s3 =	sadd.s32 s3, s5;
	[dreg:$0x0] =	wrdreg $0x0  }
0xa8: {  	s5 =	sshll.u32 s28, $0x1;
	[dreg:$0x2] =	wrdreg s3  }
0xa9: {  	[dreg:$0x3] =	wrdreg s5  }
0xaa: {  	[dreg:$0x4] =	wrdreg $0xC0  }
0xab: {  	_ =	task [dreg:s7], $0x5FFFF  }
0xac: {  	[dreg:$0x1] =	wrdreg $0xFFFFFFFF  }
0xad: {  	[dreg:$0x0] =	wrdreg $0x60  }
0xae: {  	[dreg:$0x2] =	wrdreg s2  }
0xaf: {  	[dreg:$0x3] =	wrdreg s24  }
0xb0: {  	[dreg:$0x4] =	wrdreg $0x1C8000  }
0xb1: {  	[dreg:$0x5] =	wrdreg $0x9  }
0xb2: {  	_ =	task.clear_ibuf [dreg:s7], $0x6FFFF;
	_ =	strace $0x90000046  }
0xb3: {  	s29 =	simm.s32 $0x9;
	_ =	strace $0x80000048  }
0xb4: {  	_ =	swait.ge [sflag:s29], $0x1  }
0xb5: {  	[sflag:s29] =	ssyncadd.s32 $0xFFFFFFFF  }
0xb6: {  	_ =	strace $0x90000048  }
0xb7: {  	_ =	sfence  }
0xb8: {  	s30 =	sld [smem:$0x0];
	_ =	sdelay $0x2  }
0xb9: {  	s31 =	sshll.u32 s1, $0xD;
	s1 =	sshrl.u32 s1, $0x2  }
0xba: {  	s3 =	sand.u32 $0x4000, s31;
	s1 =	sadd.s32 s1, s30  }
0xbb: {  	s0 =	sor.u32 s3, s0;
	s1 =	sshll.u32 s1, $0x11  }
0xbc: {  	s0 =	sor.u32 s1, s0  }
0xbd: {  	s0 =	sadd.s32 $0x8F2B, s0  }
0xbe: {  	[sflag:s0] =	ssyncadd.remote.s32 $0x1  }
0xbf: {  	_ =	sfence.sel $0xFFFF  }
0xc0: {  	[dreg:$0x0] =	wrdreg $0xFFFFFFFF;
	(pc) =	sbr.abs _section_cstart, $3  }
0xc1: {  	[dreg:$0x1] =	wrdreg $0xFFFFFFFF  }
0xc2: {  	_ =	task.clear_ibuf [dreg:s7], $0x2FFFF;
	_ =	strace $0x9FFFFFFF  }
0xc3: {  	(tm) =	ssettm $0x7FFFFFFF  }
tec
execute0_lowered:
.L_overlay_start_1:
0x0: {  	(tag) =	ssettag $0x1  }
0x1: {  	s0 =	rddreg [dreg:$0x0]  }
0x2: {  	s1 =	rddreg [dreg:$0x1]  }
0x3: {  	s2 =	rddreg [dreg:$0x2];
	s3 =	simm.s32 $0x0;
	s4 =	srdreg.scid  }
0x4: {  	s10 =	stileid.u32;
	s12 =	simm.s32 $0xC800;
	s13 =	simm.s32 $0x80  }
0x5: {  	s14 =	simm.s32 $0xE800;
	s15 =	simm.s32 $0x10800;
	s16 =	simm.s32 $0x12800  }
0x6: {  	s17 =	simm.s32 $0x14800;
	s18 =	simm.s32 $0x16800;
	s19 =	simm.s32 $0x18800  }
0x7: {  	s20 =	simm.s32 $0x1A800;
	s21 =	simm.s32 $0x1;
	s22 =	simm.s32 $0x2  }
0x8: {  	s23 =	simm.s32 $0x3;
	s24 =	simm.s32 $0x4;
	s25 =	simm.s32 $0x5  }
0x9: {  	s28 =	simm.s32 $0x7;
	s29 =	simm.s32 $0x8;
	s30 =	simm.s32 $0x0  }
0xa: {  	[smem:$0x7FF] =	sst s3;
	s5 =	sand.u32 $0x1, s4;
	s6 =	sshll.u32 s10, $0x1  }
0xb: {  	s4 =	sadd.s32 $0xA00, s1;
	s31 =	sshll.u32 s10, $0xD;
	s11 =	sshll.u32 s10, $0x7  }
0xc: {  	s10 =	simm.s32 $0x9;
	_ =	strace $0x80000047;
	s6 =	sor.u32 s5, s6  }
0xd: {  	s8 =	ssub.s32 $0x2, s5;
	s5 =	sadd.s32 $0xF43C00, s1;
	s7 =	sshll.u32 s6, $0xA  }
0xe: {  	s6 =	smul.u32 $0xC80, s6;
	s26 =	sshrl.u32 s8, $0x1;
	s1 =	sadd.s32 s7, s1  }
0xf: {  	s9 =	ssub.s32 s8, s26;
	s7 =	sadd.s32 s31, s2;
	s26 =	simm.s32 $0x6  }
0x10: {  	v1 =	vimm.f32 $0.0e+00;
	v0 =	vmov s11;
	s6 =	sadd.s32 s0, s6;
	s8 =	sadd.s32 $0x1800, s1;
	s9 =	smax.u32 s9, $0x1  }
.LBB2_1:
0x11: {  	[tilespmem:s3], [sflag:$0x9] =	stream.linear.gather [hbm4b:s6+s3], $0x6400, $0x38;
	[tilespmem:$0x1E800] =	vst v63  }
0x12: {  	_ =	swait.ge [sflag:s10], $0x6400  }
0x13: {  	[sflag:s10] =	ssyncset.done $0x0  }
0x14: {  	s0 =	simm.s32 $0x6400;
	[sflag:s10] =	ssyncadd.s32 $0xFFFF9C00  }
0x15: {  	[tilespmem:s0], [sflag:$0x9] =	stream.linear.gather [hbm4b:s4+s3], $0x6400, $0x38;
	[tilespmem:$0x1E800] =	vst v63  }
0x16: {  	_ =	swait.ge [sflag:s10], $0x6400  }
0x17: {  	[sflag:s10] =	ssyncset.done $0x0  }
0x18: {  	s0 =	simm.s32 $0x0;
	[sflag:s10] =	ssyncadd.s32 $0xFFFF9C00  }
0x19: {  	v4 =	vld [tilespmem:s0+$0x6400]  }
0x1a: {  	v6 =	vld [tilespmem:s0+$0x6410]  }
0x1b: {  	v5 =	vld [tilespmem:s0+$0x6420]  }
0x1c: {  	v3 =	vld [tilespmem:s0+$0x6430]  }
0x1d: {  	v2 =	vld [tilespmem:s0+$0x6440]  }
0x1e: {  	v7 =	vadd.s32 v0, v4;
	v4 =	vld [tilespmem:s0+$0x6450]  }
0x1f: {  	s11 =	simm.s32 $0x200;
	[tilespmem:s0+$0x6400] =	vst v7;
	v7 =	vadd.s32 v0, v6;
	v6 =	vld [tilespmem:s0+$0x6460]  }
.LBB2_2:
0x20: {  	s1 =	sshra.s32 s11, $0x2;
	p0 =	sne.s32 s11, $0x18E00;
	[tilespmem:s0+$0x6410] =	vst v7;
	v5 =	vadd.s32 v0, v5;
	v7 =	vld [tilespmem:s0+$0x6470]  }
0x21: {  	v8 =	vld [tilespmem:s1+$0x6400];
	[tilespmem:s0+$0x6420] =	vst v5;
	v3 =	vadd.s32 v0, v3  }
0x22: {  	v9 =	vld [tilespmem:s1+$0x6410];
	[tilespmem:s0+$0x6430] =	vst v3;
	v2 =	vadd.s32 v0, v2  }
.Ltmp0:
0x23: {  	v5 =	vld [tilespmem:s1+$0x6420];
	[tilespmem:s0+$0x6440] =	vst v2;
	v2 =	vadd.s32 v0, v4;
	(pc) =	sbr.rel @p0 .LBB2_2-.Ltmp0, $4  }
0x24: {  	v3 =	vld [tilespmem:s1+$0x6430];
	[tilespmem:s0+$0x6450] =	vst v2;
	v4 =	vadd.s32 v0, v6  }
0x25: {  	v2 =	vld [tilespmem:s1+$0x6440];
	[tilespmem:s0+$0x6460] =	vst v4;
	v6 =	vadd.s32 v0, v7  }
0x26: {  	v7 =	vadd.s32 v0, v8;
	v4 =	vld [tilespmem:s1+$0x6450];
	[tilespmem:s0+$0x6470] =	vst v6;
	s0 =	smov.u32 s1  }
0x27: {  	s11 =	sadd.s32 $0x200, s11;
	[tilespmem:s0+$0x6400] =	vst v7;
	v7 =	vadd.s32 v0, v9;
	v6 =	vld [tilespmem:s0+$0x6460]  }
0x28: {  	[tilespmem:s0+$0x6410] =	vst v7;
	v5 =	vadd.s32 v0, v5;
	v63 =	vld [tilespmem:s0+$0x6470]  }
0x29: {  	[tilespmem:s0+$0x6420] =	vst v5;
	v3 =	vadd.s32 v0, v3  }
0x2a: {  	[tilespmem:s0+$0x6430] =	vst v3;
	v2 =	vadd.s32 v0, v2  }
0x2b: {  	[tilespmem:s0+$0x6440] =	vst v2;
	v2 =	vadd.s32 v0, v4  }
0x2c: {  	[tilespmem:s0+$0x6450] =	vst v2;
	v2 =	vadd.s32 v0, v6  }
0x2d: {  	[tilespmem:s0+$0x6460] =	vst v2;
	v2 =	vadd.s32 v0, v63  }
0x2e: {  	s11 =	simm.s32 $0x100;
	[tilespmem:s0+$0x6470] =	vst v2;
	s0 =	simm.s32 $0x0  }
.LBB2_4:
0x2f: {  	p0 =	sne.s32 s11, $0x7F00;
	[tilespmem:s0+$0xC830] =	vst v1;
	s1 =	smov.u32 s11;
	s11 =	sadd.s32 $0x100, s11  }
.Ltmp1:
0x30: {  	[tilespmem:s0+$0xC820] =	vst v1;
	(pc) =	sbr.rel @p0 .LBB2_4-.Ltmp1, $3  }
0x31: {  	[tilespmem:s0+$0xC800] =	vst v1  }
0x32: {  	[tilespmem:s0+$0xC810] =	vst v1;
	_ =	sdelay $0x1  }
0x33: {  	s0 =	sshra.s32 s1, $0x2  }
0x34: {  	[tilespmem:s0+$0xC830] =	vst v1  }
0x35: {  	[tilespmem:s0+$0xC820] =	vst v1  }
0x36: {  	[tilespmem:s0+$0xC800] =	vst v1  }
0x37: {  	[tilespmem:s0+$0xC810] =	vst v1  }
0x38: {  	[spmem:s7] =	stream.linear.scatter [tilespmem:s12], [sflag:$0x9], $0x2000, $0x38;
	[tilespmem:$0x1E800] =	vst v63  }
0x39: {  	_ =	swait.ge [sflag:s10], $0x2000  }
0x3a: {  	[sflag:s10] =	ssyncset.done $0x0  }
0x3b: {  	s1 =	simm.s32 $0x0;
	[sflag:s10] =	ssyncadd.s32 $0xFFFFE000  }
0x3c: {  	[tilespmem:s12], [sflag:$0x1] =	stream.indirect.gather [hbm4b:s5+s13], $0x40, s1, s13, $0xb8;
	[tilespmem:$0x1E800] =	vst v63  }
0x3d: {  	s11 =	simm.s32 $0x80  }
0x3e: {  	[tilespmem:s14], [sflag:$0x2] =	stream.indirect.gather [hbm4b:s5+s13], $0x40, s11, s13, $0xb8;
	[tilespmem:$0x1E800] =	vst v63  }
0x3f: {  	s1 =	simm.s32 $0x100  }
0x40: {  	[tilespmem:s15], [sflag:$0x3] =	stream.indirect.gather [hbm4b:s5+s13], $0x40, s1, s13, $0xb8;
	[tilespmem:$0x1E800] =	vst v63  }
0x41: {  	s11 =	simm.s32 $0x180  }
0x42: {  	[tilespmem:s16], [sflag:$0x4] =	stream.indirect.gather [hbm4b:s5+s13], $0x40, s11, s13, $0xb8;
	[tilespmem:$0x1E800] =	vst v63  }
0x43: {  	s1 =	simm.s32 $0x200  }
0x44: {  	[tilespmem:s17], [sflag:$0x5] =	stream.indirect.gather [hbm4b:s5+s13], $0x40, s1, s13, $0xb8;
	[tilespmem:$0x1E800] =	vst v63  }
0x45: {  	s11 =	simm.s32 $0x280  }
0x46: {  	[tilespmem:s18], [sflag:$0x6] =	stream.indirect.gather [hbm4b:s5+s13], $0x40, s11, s13, $0xb8;
	[tilespmem:$0x1E800] =	vst v63  }
0x47: {  	s1 =	simm.s32 $0x300  }
0x48: {  	[tilespmem:s19], [sflag:$0x7] =	stream.indirect.gather [hbm4b:s5+s13], $0x40, s1, s13, $0xb8;
	[tilespmem:$0x1E800] =	vst v63  }
0x49: {  	s11 =	simm.s32 $0x380  }
0x4a: {  	[tilespmem:s20], [sflag:$0x8] =	stream.indirect.gather [hbm4b:s5+s13], $0x40, s11, s13, $0xb8;
	[tilespmem:$0x1E800] =	vst v63  }
0x4b: {  	_ =	swait.ge [sflag:s21], $0x2000  }
0x4c: {  	[sflag:s21] =	ssyncset.done $0x0  }
0x4d: {  	s1 =	simm.s32 $0x6400;
	[sflag:s21] =	ssyncadd.s32 $0xFFFFE000  }
0x4e: {  	[spmem:s2] =	stream.indirect.scatter.add.f32 [tilespmem:s12], [sflag:$0x9], $0x40, s1, s13, $0xb8;
	[tilespmem:$0x1E800] =	vst v63  }
0x4f: {  	_ =	swait.ge [sflag:s10], $0x2000  }
0x50: {  	[sflag:s10] =	ssyncset.done $0x0  }
0x51: {  	[sflag:s10] =	ssyncadd.s32 $0xFFFFE000  }
0x52: {  	_ =	swait.ge [sflag:s22], $0x2000  }
0x53: {  	[sflag:s22] =	ssyncset.done $0x0  }
0x54: {  	s11 =	simm.s32 $0x6480;
	[sflag:s22] =	ssyncadd.s32 $0xFFFFE000  }
0x55: {  	[spmem:s2] =	stream.indirect.scatter.add.f32 [tilespmem:s14], [sflag:$0x9], $0x40, s11, s13, $0xb8;
	[tilespmem:$0x1E800] =	vst v63  }
0x56: {  	_ =	swait.ge [sflag:s10], $0x2000  }
0x57: {  	[sflag:s10] =	ssyncset.done $0x0  }
0x58: {  	[sflag:s10] =	ssyncadd.s32 $0xFFFFE000  }
0x59: {  	_ =	swait.ge [sflag:s23], $0x2000  }
0x5a: {  	[sflag:s23] =	ssyncset.done $0x0  }
0x5b: {  	s1 =	simm.s32 $0x6500;
	[sflag:s23] =	ssyncadd.s32 $0xFFFFE000  }
0x5c: {  	[spmem:s2] =	stream.indirect.scatter.add.f32 [tilespmem:s15], [sflag:$0x9], $0x40, s1, s13, $0xb8;
	[tilespmem:$0x1E800] =	vst v63  }
0x5d: {  	_ =	swait.ge [sflag:s10], $0x2000  }
0x5e: {  	[sflag:s10] =	ssyncset.done $0x0  }
0x5f: {  	[sflag:s10] =	ssyncadd.s32 $0xFFFFE000  }
0x60: {  	_ =	swait.ge [sflag:s24], $0x2000  }
0x61: {  	[sflag:s24] =	ssyncset.done $0x0  }
0x62: {  	s11 =	simm.s32 $0x6580;
	[sflag:s24] =	ssyncadd.s32 $0xFFFFE000  }
0x63: {  	[spmem:s2] =	stream.indirect.scatter.add.f32 [tilespmem:s16], [sflag:$0x9], $0x40, s11, s13, $0xb8;
	[tilespmem:$0x1E800] =	vst v63  }
0x64: {  	_ =	swait.ge [sflag:s10], $0x2000  }
0x65: {  	[sflag:s10] =	ssyncset.done $0x0  }
0x66: {  	[sflag:s10] =	ssyncadd.s32 $0xFFFFE000  }
0x67: {  	_ =	swait.ge [sflag:s25], $0x2000  }
0x68: {  	[sflag:s25] =	ssyncset.done $0x0  }
0x69: {  	s1 =	simm.s32 $0x6600;
	[sflag:s25] =	ssyncadd.s32 $0xFFFFE000  }
0x6a: {  	[spmem:s2] =	stream.indirect.scatter.add.f32 [tilespmem:s17], [sflag:$0x9], $0x40, s1, s13, $0xb8;
	[tilespmem:$0x1E800] =	vst v63  }
0x6b: {  	_ =	swait.ge [sflag:s10], $0x2000  }
0x6c: {  	[sflag:s10] =	ssyncset.done $0x0  }
0x6d: {  	[sflag:s10] =	ssyncadd.s32 $0xFFFFE000  }
0x6e: {  	_ =	swait.ge [sflag:s26], $0x2000  }
0x6f: {  	[sflag:s26] =	ssyncset.done $0x0  }
0x70: {  	s11 =	simm.s32 $0x6680;
	[sflag:s26] =	ssyncadd.s32 $0xFFFFE000  }
0x71: {  	[spmem:s2] =	stream.indirect.scatter.add.f32 [tilespmem:s18], [sflag:$0x9], $0x40, s11, s13, $0xb8;
	[tilespmem:$0x1E800] =	vst v63  }
0x72: {  	_ =	swait.ge [sflag:s10], $0x2000  }
0x73: {  	[sflag:s10] =	ssyncset.done $0x0  }
0x74: {  	[sflag:s10] =	ssyncadd.s32 $0xFFFFE000  }
0x75: {  	_ =	swait.ge [sflag:s28], $0x2000  }
0x76: {  	[sflag:s28] =	ssyncset.done $0x0  }
0x77: {  	s1 =	simm.s32 $0x6700;
	[sflag:s28] =	ssyncadd.s32 $0xFFFFE000  }
0x78: {  	[spmem:s2] =	stream.indirect.scatter.add.f32 [tilespmem:s19], [sflag:$0x9], $0x40, s1, s13, $0xb8;
	[tilespmem:$0x1E800] =	vst v63  }
0x79: {  	_ =	swait.ge [sflag:s10], $0x2000  }
0x7a: {  	[sflag:s10] =	ssyncset.done $0x0  }
0x7b: {  	[sflag:s10] =	ssyncadd.s32 $0xFFFFE000  }
0x7c: {  	_ =	swait.ge [sflag:s29], $0x2000  }
0x7d: {  	[sflag:s29] =	ssyncset.done $0x0  }
0x7e: {  	s11 =	simm.s32 $0x6780;
	[sflag:s29] =	ssyncadd.s32 $0xFFFFE000  }
0x7f: {  	[spmem:s2] =	stream.indirect.scatter.add.f32 [tilespmem:s20], [sflag:$0x9], $0x40, s11, s13, $0xb8;
	[tilespmem:$0x1E800] =	vst v63  }
0x80: {  	_ =	swait.ge [sflag:s10], $0x2000  }
0x81: {  	s31 =	simm.s32 $0x1000;
	s0 =	simm.s32 $0x2000;
	[sflag:s10] =	ssyncset.done $0x0  }
.LBB2_6:
0x82: {  	s11 =	sshra.s32 s31, $0x2  }
0x83: {  	[sflag:s10] =	ssyncadd.s32 $0xFFFFE000;
	s31 =	smov.u32 s0;
	s1 =	sadd.s32 $0x1000, s0  }
0x84: {  	[tilespmem:s12], [sflag:$0x1] =	stream.indirect.gather [hbm4b:s5+s13], $0x40, s11, s13, $0xb8;
	[tilespmem:$0x1E800] =	vst v63  }
0x85: {  	p0 =	sne.s32 s0, $0x18000;
	s0 =	sadd.s32 $0x80, s11  }
0x86: {  	[tilespmem:s14], [sflag:$0x2] =	stream.indirect.gather [hbm4b:s5+s13], $0x40, s0, s13, $0xb8;
	[tilespmem:$0x1E800] =	vst v63  }
0x87: {  	s0 =	sadd.s32 $0x100, s11  }
0x88: {  	[tilespmem:s15], [sflag:$0x3] =	stream.indirect.gather [hbm4b:s5+s13], $0x40, s0, s13, $0xb8;
	[tilespmem:$0x1E800] =	vst v63  }
0x89: {  	s0 =	sadd.s32 $0x180, s11  }
0x8a: {  	[tilespmem:s16], [sflag:$0x4] =	stream.indirect.gather [hbm4b:s5+s13], $0x40, s0, s13, $0xb8;
	[tilespmem:$0x1E800] =	vst v63  }
0x8b: {  	s0 =	sadd.s32 $0x200, s11  }
0x8c: {  	[tilespmem:s17], [sflag:$0x5] =	stream.indirect.gather [hbm4b:s5+s13], $0x40, s0, s13, $0xb8;
	[tilespmem:$0x1E800] =	vst v63  }
0x8d: {  	s0 =	sadd.s32 $0x280, s11  }
0x8e: {  	[tilespmem:s18], [sflag:$0x6] =	stream.indirect.gather [hbm4b:s5+s13], $0x40, s0, s13, $0xb8;
	[tilespmem:$0x1E800] =	vst v63  }
0x8f: {  	s0 =	sadd.s32 $0x300, s11  }
0x90: {  	[tilespmem:s19], [sflag:$0x7] =	stream.indirect.gather [hbm4b:s5+s13], $0x40, s0, s13, $0xb8;
	[tilespmem:$0x1E800] =	vst v63  }
0x91: {  	s0 =	sadd.s32 $0x380, s11  }
0x92: {  	[tilespmem:s20], [sflag:$0x8] =	stream.indirect.gather [hbm4b:s5+s13], $0x40, s0, s13, $0xb8;
	[tilespmem:$0x1E800] =	vst v63  }
0x93: {  	_ =	swait.ge [sflag:s21], $0x2000  }
0x94: {  	[sflag:s21] =	ssyncset.done $0x0  }
0x95: {  	s0 =	sadd.s32 $0x6400, s11;
	[sflag:s21] =	ssyncadd.s32 $0xFFFFE000  }
0x96: {  	[spmem:s2] =	stream.indirect.scatter.add.f32 [tilespmem:s12], [sflag:$0x9], $0x40, s0, s13, $0xb8;
	[tilespmem:$0x1E800] =	vst v63  }
0x97: {  	_ =	swait.ge [sflag:s10], $0x2000  }
0x98: {  	[sflag:s10] =	ssyncset.done $0x0  }
0x99: {  	[sflag:s10] =	ssyncadd.s32 $0xFFFFE000  }
0x9a: {  	_ =	swait.ge [sflag:s22], $0x2000  }
0x9b: {  	[sflag:s22] =	ssyncset.done $0x0  }
0x9c: {  	s0 =	sadd.s32 $0x6480, s11;
	[sflag:s22] =	ssyncadd.s32 $0xFFFFE000  }
0x9d: {  	[spmem:s2] =	stream.indirect.scatter.add.f32 [tilespmem:s14], [sflag:$0x9], $0x40, s0, s13, $0xb8;
	[tilespmem:$0x1E800] =	vst v63  }
0x9e: {  	_ =	swait.ge [sflag:s10], $0x2000  }
0x9f: {  	[sflag:s10] =	ssyncset.done $0x0  }
0xa0: {  	[sflag:s10] =	ssyncadd.s32 $0xFFFFE000  }
0xa1: {  	_ =	swait.ge [sflag:s23], $0x2000  }
0xa2: {  	[sflag:s23] =	ssyncset.done $0x0  }
0xa3: {  	s0 =	sadd.s32 $0x6500, s11;
	[sflag:s23] =	ssyncadd.s32 $0xFFFFE000  }
0xa4: {  	[spmem:s2] =	stream.indirect.scatter.add.f32 [tilespmem:s15], [sflag:$0x9], $0x40, s0, s13, $0xb8;
	[tilespmem:$0x1E800] =	vst v63  }
0xa5: {  	_ =	swait.ge [sflag:s10], $0x2000  }
0xa6: {  	[sflag:s10] =	ssyncset.done $0x0  }
0xa7: {  	[sflag:s10] =	ssyncadd.s32 $0xFFFFE000  }
0xa8: {  	_ =	swait.ge [sflag:s24], $0x2000  }
0xa9: {  	[sflag:s24] =	ssyncset.done $0x0  }
0xaa: {  	s0 =	sadd.s32 $0x6580, s11;
	[sflag:s24] =	ssyncadd.s32 $0xFFFFE000  }
0xab: {  	[spmem:s2] =	stream.indirect.scatter.add.f32 [tilespmem:s16], [sflag:$0x9], $0x40, s0, s13, $0xb8;
	[tilespmem:$0x1E800] =	vst v63  }
0xac: {  	_ =	swait.ge [sflag:s10], $0x2000  }
0xad: {  	[sflag:s10] =	ssyncset.done $0x0  }
0xae: {  	[sflag:s10] =	ssyncadd.s32 $0xFFFFE000  }
0xaf: {  	_ =	swait.ge [sflag:s25], $0x2000  }
0xb0: {  	[sflag:s25] =	ssyncset.done $0x0  }
0xb1: {  	s0 =	sadd.s32 $0x6600, s11;
	[sflag:s25] =	ssyncadd.s32 $0xFFFFE000  }
0xb2: {  	[spmem:s2] =	stream.indirect.scatter.add.f32 [tilespmem:s17], [sflag:$0x9], $0x40, s0, s13, $0xb8;
	[tilespmem:$0x1E800] =	vst v63  }
0xb3: {  	_ =	swait.ge [sflag:s10], $0x2000  }
0xb4: {  	[sflag:s10] =	ssyncset.done $0x0  }
0xb5: {  	[sflag:s10] =	ssyncadd.s32 $0xFFFFE000  }
0xb6: {  	_ =	swait.ge [sflag:s26], $0x2000  }
0xb7: {  	[sflag:s26] =	ssyncset.done $0x0  }
0xb8: {  	s0 =	sadd.s32 $0x6680, s11;
	[sflag:s26] =	ssyncadd.s32 $0xFFFFE000  }
0xb9: {  	[spmem:s2] =	stream.indirect.scatter.add.f32 [tilespmem:s18], [sflag:$0x9], $0x40, s0, s13, $0xb8;
	[tilespmem:$0x1E800] =	vst v63  }
0xba: {  	_ =	swait.ge [sflag:s10], $0x2000  }
0xbb: {  	[sflag:s10] =	ssyncset.done $0x0  }
0xbc: {  	[sflag:s10] =	ssyncadd.s32 $0xFFFFE000  }
0xbd: {  	_ =	swait.ge [sflag:s28], $0x2000  }
0xbe: {  	[sflag:s28] =	ssyncset.done $0x0  }
0xbf: {  	s0 =	sadd.s32 $0x6700, s11;
	[sflag:s28] =	ssyncadd.s32 $0xFFFFE000  }
0xc0: {  	[spmem:s2] =	stream.indirect.scatter.add.f32 [tilespmem:s19], [sflag:$0x9], $0x40, s0, s13, $0xb8;
	[tilespmem:$0x1E800] =	vst v63  }
0xc1: {  	_ =	swait.ge [sflag:s10], $0x2000  }
0xc2: {  	[sflag:s10] =	ssyncset.done $0x0  }
0xc3: {  	[sflag:s10] =	ssyncadd.s32 $0xFFFFE000  }
0xc4: {  	_ =	swait.ge [sflag:s29], $0x2000  }
.Ltmp2:
0xc5: {  	[sflag:s29] =	ssyncset.done $0x0;
	(pc) =	sbr.rel @p0 .LBB2_6-.Ltmp2, $4  }
0xc6: {  	s0 =	sadd.s32 $0x6780, s11;
	[sflag:s29] =	ssyncadd.s32 $0xFFFFE000  }
0xc7: {  	[spmem:s2] =	stream.indirect.scatter.add.f32 [tilespmem:s20], [sflag:$0x9], $0x40, s0, s13, $0xb8;
	[tilespmem:$0x1E800] =	vst v63  }
0xc8: {  	_ =	swait.ge [sflag:s10], $0x2000  }
0xc9: {  	s0 =	smov.u32 s1;
	[sflag:s10] =	ssyncset.done $0x0  }
0xca: {  	s0 =	sshra.s32 s31, $0x2;
	[sflag:s10] =	ssyncadd.s32 $0xFFFFE000  }
0xcb: {  	[tilespmem:s12], [sflag:$0x1] =	stream.indirect.gather [hbm4b:s5+s13], $0x40, s0, s13, $0xb8;
	[tilespmem:$0x1E800] =	vst v63  }
0xcc: {  	s1 =	sadd.s32 $0x80, s0  }
0xcd: {  	[tilespmem:s14], [sflag:$0x2] =	stream.indirect.gather [hbm4b:s5+s13], $0x40, s1, s13, $0xb8;
	[tilespmem:$0x1E800] =	vst v63  }
0xce: {  	s31 =	sadd.s32 $0x100, s0  }
0xcf: {  	[tilespmem:s15], [sflag:$0x3] =	stream.indirect.gather [hbm4b:s5+s13], $0x40, s31, s13, $0xb8;
	[tilespmem:$0x1E800] =	vst v63  }
0xd0: {  	s11 =	sadd.s32 $0x180, s0  }
0xd1: {  	[tilespmem:s16], [sflag:$0x4] =	stream.indirect.gather [hbm4b:s5+s13], $0x40, s11, s13, $0xb8;
	[tilespmem:$0x1E800] =	vst v63  }
0xd2: {  	s31 =	sadd.s32 $0x200, s0  }
0xd3: {  	[tilespmem:s17], [sflag:$0x5] =	stream.indirect.gather [hbm4b:s5+s13], $0x40, s31, s13, $0xb8;
	[tilespmem:$0x1E800] =	vst v63  }
0xd4: {  	s11 =	sadd.s32 $0x280, s0  }
0xd5: {  	[tilespmem:s18], [sflag:$0x6] =	stream.indirect.gather [hbm4b:s5+s13], $0x40, s11, s13, $0xb8;
	[tilespmem:$0x1E800] =	vst v63  }
0xd6: {  	s31 =	sadd.s32 $0x300, s0  }
0xd7: {  	[tilespmem:s19], [sflag:$0x7] =	stream.indirect.gather [hbm4b:s5+s13], $0x40, s31, s13, $0xb8;
	[tilespmem:$0x1E800] =	vst v63  }
0xd8: {  	s11 =	sadd.s32 $0x380, s0  }
0xd9: {  	[tilespmem:s20], [sflag:$0x8] =	stream.indirect.gather [hbm4b:s5+s13], $0x40, s11, s13, $0xb8;
	[tilespmem:$0x1E800] =	vst v63  }
0xda: {  	_ =	swait.ge [sflag:s21], $0x2000  }
0xdb: {  	[sflag:s21] =	ssyncset.done $0x0  }
0xdc: {  	s31 =	sadd.s32 $0x6400, s0;
	[sflag:s21] =	ssyncadd.s32 $0xFFFFE000  }
0xdd: {  	[spmem:s2] =	stream.indirect.scatter.add.f32 [tilespmem:s12], [sflag:$0x9], $0x40, s31, s13, $0xb8;
	[tilespmem:$0x1E800] =	vst v63  }
0xde: {  	_ =	swait.ge [sflag:s10], $0x2000  }
0xdf: {  	[sflag:s10] =	ssyncset.done $0x0  }
0xe0: {  	[sflag:s10] =	ssyncadd.s32 $0xFFFFE000  }
0xe1: {  	_ =	swait.ge [sflag:s22], $0x2000  }
0xe2: {  	[sflag:s22] =	ssyncset.done $0x0  }
0xe3: {  	s11 =	sadd.s32 $0x6480, s0;
	[sflag:s22] =	ssyncadd.s32 $0xFFFFE000  }
0xe4: {  	[spmem:s2] =	stream.indirect.scatter.add.f32 [tilespmem:s14], [sflag:$0x9], $0x40, s11, s13, $0xb8;
	[tilespmem:$0x1E800] =	vst v63  }
0xe5: {  	_ =	swait.ge [sflag:s10], $0x2000  }
0xe6: {  	[sflag:s10] =	ssyncset.done $0x0  }
0xe7: {  	[sflag:s10] =	ssyncadd.s32 $0xFFFFE000  }
0xe8: {  	_ =	swait.ge [sflag:s23], $0x2000  }
0xe9: {  	[sflag:s23] =	ssyncset.done $0x0  }
0xea: {  	s31 =	sadd.s32 $0x6500, s0;
	[sflag:s23] =	ssyncadd.s32 $0xFFFFE000  }
0xeb: {  	[spmem:s2] =	stream.indirect.scatter.add.f32 [tilespmem:s15], [sflag:$0x9], $0x40, s31, s13, $0xb8;
	[tilespmem:$0x1E800] =	vst v63  }
0xec: {  	_ =	swait.ge [sflag:s10], $0x2000  }
0xed: {  	[sflag:s10] =	ssyncset.done $0x0  }
0xee: {  	[sflag:s10] =	ssyncadd.s32 $0xFFFFE000  }
0xef: {  	_ =	swait.ge [sflag:s24], $0x2000  }
0xf0: {  	[sflag:s24] =	ssyncset.done $0x0  }
0xf1: {  	s11 =	sadd.s32 $0x6580, s0;
	[sflag:s24] =	ssyncadd.s32 $0xFFFFE000  }
0xf2: {  	[spmem:s2] =	stream.indirect.scatter.add.f32 [tilespmem:s16], [sflag:$0x9], $0x40, s11, s13, $0xb8;
	[tilespmem:$0x1E800] =	vst v63  }
0xf3: {  	_ =	swait.ge [sflag:s10], $0x2000  }
0xf4: {  	[sflag:s10] =	ssyncset.done $0x0  }
0xf5: {  	[sflag:s10] =	ssyncadd.s32 $0xFFFFE000  }
0xf6: {  	_ =	swait.ge [sflag:s25], $0x2000  }
0xf7: {  	[sflag:s25] =	ssyncset.done $0x0  }
0xf8: {  	s31 =	sadd.s32 $0x6600, s0;
	[sflag:s25] =	ssyncadd.s32 $0xFFFFE000  }
0xf9: {  	[spmem:s2] =	stream.indirect.scatter.add.f32 [tilespmem:s17], [sflag:$0x9], $0x40, s31, s13, $0xb8;
	[tilespmem:$0x1E800] =	vst v63  }
0xfa: {  	_ =	swait.ge [sflag:s10], $0x2000  }
0xfb: {  	[sflag:s10] =	ssyncset.done $0x0  }
0xfc: {  	[sflag:s10] =	ssyncadd.s32 $0xFFFFE000  }
0xfd: {  	_ =	swait.ge [sflag:s26], $0x2000  }
0xfe: {  	[sflag:s26] =	ssyncset.done $0x0  }
0xff: {  	s11 =	sadd.s32 $0x6680, s0;
	[sflag:s26] =	ssyncadd.s32 $0xFFFFE000  }
0x100: {  	[spmem:s2] =	stream.indirect.scatter.add.f32 [tilespmem:s18], [sflag:$0x9], $0x40, s11, s13, $0xb8;
	[tilespmem:$0x1E800] =	vst v63  }
0x101: {  	_ =	swait.ge [sflag:s10], $0x2000  }
0x102: {  	[sflag:s10] =	ssyncset.done $0x0  }
0x103: {  	[sflag:s10] =	ssyncadd.s32 $0xFFFFE000  }
0x104: {  	_ =	swait.ge [sflag:s28], $0x2000  }
0x105: {  	[sflag:s28] =	ssyncset.done $0x0  }
0x106: {  	s31 =	sadd.s32 $0x6700, s0;
	[sflag:s28] =	ssyncadd.s32 $0xFFFFE000  }
0x107: {  	[spmem:s2] =	stream.indirect.scatter.add.f32 [tilespmem:s19], [sflag:$0x9], $0x40, s31, s13, $0xb8;
	[tilespmem:$0x1E800] =	vst v63  }
0x108: {  	_ =	swait.ge [sflag:s10], $0x2000  }
0x109: {  	[sflag:s10] =	ssyncset.done $0x0  }
0x10a: {  	[sflag:s10] =	ssyncadd.s32 $0xFFFFE000  }
0x10b: {  	_ =	swait.ge [sflag:s29], $0x2000  }
0x10c: {  	[sflag:s29] =	ssyncset.done $0x0  }
0x10d: {  	s30 =	sadd.s32 $0x1, s30;
	s0 =	sadd.s32 $0x6780, s0;
	[sflag:s29] =	ssyncadd.s32 $0xFFFFE000  }
0x10e: {  	[spmem:s2] =	stream.indirect.scatter.add.f32 [tilespmem:s20], [sflag:$0x9], $0x40, s0, s13, $0xb8;
	[tilespmem:$0x1E800] =	vst v63  }
0x10f: {  	p0 =	sne.s32 s30, s9;
	s11 =	stileid.u32;
	_ =	swait.ge [sflag:s10], $0x2000  }
0x110: {  	s31 =	sshrl.u32 s7, $0x3;
	s0 =	sshll.u32 s11, $0x6;
	[sflag:s10] =	ssyncset.done $0x0  }
.Ltmp3:
0x111: {  	s0 =	sor.u32 $0x1C09, s0;
	[sflag:s10] =	ssyncadd.s32 $0xFFFFE000;
	(pc) =	sbr.rel @p0 .LBB2_1-.Ltmp3, $4  }
0x112: {  	[hbm:s8], [sflag:s0] =	dma.local [spmem:s31], $0x400  }
0x113: {  	_ =	swait.ge [sflag:s10], $0x400  }
0x114: {  	[sflag:s10] =	ssyncset.done $0x0  }
0x115: {  	[sflag:s10] =	ssyncadd.s32 $0xFFFFFC00  }
0x116: {  	_ =	sfence.sel $0x180000  }
0x117: {  	[bflag:$0x0] =	sbarrier.arrive $0xFFFF  }
0x118: {  	_ =	strace $0x90000047  }
0x119: {  	s0 =	stileid.u32;
	[bflag:$0x2] =	sbarrier.arrive $0xFFFF  }
0x11a: {  	p0 =	sne.s32 s0, $0x0;
	s0 =	rddreg [dreg:$0x3]  }
0x11b: {  	s0 =	sadd.s32 @!p0 $0x100000, s0  }
0x11c: {  	[sflag:s0] =	ssyncadd.tile.s32 @!p0 $0x1;
	_ =	shalt  }
.Lfunc_end2:
_tile_overlayer_lowered:
.L_overlay_start_2:
0x11d: {  	(tag) =	ssettag $0x2  }
0x11e: {  	s0 =	rddreg [dreg:$0x0];
	s2 =	stileid.u32  }
0x11f: {  	s1 =	rddreg [dreg:$0x1];
	p0 =	sne.s32 s2, $0x0  }
0x120: {  	s3 =	rddreg [dreg:$0x2];
	[bflag:$0x3] =	sbarrier.arrive $0xFFFF;
	s2 =	simm.s32 @!p0 $0x1C09  }
0x121: {  	[timem:s3], [sflag:s2] =	dma.local @!p0 [hbm:s0], s1  }
0x122: {  	s0 =	simm.s32 @!p0 $0x9  }
0x123: {  	_ =	swait.ge @!p0 [sflag:s0], s1  }
0x124: {  	s1 =	ssub.s32 @!p0 $0x0, s1;
	[sflag:s0] =	ssyncset.done @!p0 $0x0  }
0x125: {  	[sflag:s0] =	ssyncadd.s32 @!p0 s1  }
0x126: {  	[bflag:$0x3] =	sbarrier.arrive $0xFFFF  }
0x127: {  	_ =	shalt  }

</sc_bundles>
